<compile_context>
chip_gen: v7x
topology: tpu7x:2x2x1
jax: 0.10.2.dev20260603
libtpu: 0.0.44.dev20260713+nightly
codegen_flags: <defaults>
</compile_context>

<pallas_src>
import functools

import jax
import jax.numpy as jnp
from jax import lax
from jax.experimental import pallas as pl
from jax.experimental.pallas import tpu as pltpu
from jax.experimental.pallas import tpu_sc as plsc

K = 16
R = 128
SC_CHUNK = 128
HI = float("inf")


def _knn_body(xyz_ref, xyzT_ref, w1t_ref, idx_ref, a_ref, *, n):
    b = pl.program_id(0)
    xq = xyz_ref[0]
    xT = xyzT_ref[0]
    sq_all = xT[0:1, :] * xT[0:1, :] + xT[1:2, :] * xT[1:2, :] + xT[2:3, :] * xT[2:3, :]
    sq_q = jnp.sum(xq * xq, axis=1, keepdims=True)
    prod = jnp.dot(xq.astype(jnp.bfloat16), xT.astype(jnp.bfloat16),
                   preferred_element_type=jnp.float32)
    d = (-2.0 * prod + sq_q) + sq_all

    lane_k = lax.broadcasted_iota(jnp.int32, (R, K), 1)
    iota_f = lax.broadcasted_iota(jnp.int32, (R, n), 1).astype(jnp.float32)
    acc = jnp.zeros((R, K), jnp.int32)
    for k in range(K):
        m = jnp.min(d, axis=1, keepdims=True)
        eq = d == m
        fi_f = jnp.min(jnp.where(eq, iota_f, HI), axis=1, keepdims=True)
        acc = jnp.where(lane_k == k, fi_f.astype(jnp.int32), acc)
        d = jnp.where(eq, HI, d)
    idx_ref[0] = acc + b * n

    a_ref[0] = jnp.dot(xq.astype(jnp.bfloat16), w1t_ref[...].astype(jnp.bfloat16),
                       preferred_element_type=jnp.float32)


def _knn_indices(xyz, xyzT, w1t):
    bsz, n, _ = xyz.shape
    d = w1t.shape[1]
    grid = (bsz, n // R)
    return pl.pallas_call(
        functools.partial(_knn_body, n=n),
        grid=grid,
        in_specs=[
            pl.BlockSpec((1, R, 3), lambda b, r: (b, r, 0)),
            pl.BlockSpec((1, 3, n), lambda b, r: (b, 0, 0)),
            pl.BlockSpec(w1t.shape, lambda b, r: (0, 0)),
        ],
        out_specs=[
            pl.BlockSpec((1, R, K), lambda b, r: (b, r, 0)),
            pl.BlockSpec((1, R, d), lambda b, r: (b, r, 0)),
        ],
        out_shape=[
            jax.ShapeDtypeStruct((bsz, n, K), jnp.int32),
            jax.ShapeDtypeStruct((bsz, n, d), jnp.float32),
        ],
    )(xyz, xyzT, w1t)


def _sc_gather(feat_flat, a_flat, idx_flat):
    m, d = idx_flat.shape[0], feat_flat.shape[1]
    info = plsc.get_sparse_core_info()
    nw = info.num_cores * info.num_subcores
    per_w = m // nw
    nchunk = per_w // SC_CHUNK
    mesh = plsc.VectorSubcoreMesh(core_axis_name="c", subcore_axis_name="s")

    @functools.partial(
        pl.kernel,
        mesh=mesh,
        compiler_params=pltpu.CompilerParams(needs_layout_passes=False),
        out_type=(
            jax.ShapeDtypeStruct((m, d), jnp.float32),
            jax.ShapeDtypeStruct((m, d), jnp.float32),
        ),
        scratch_types=[
            pltpu.VMEM((SC_CHUNK,), jnp.int32),
            pltpu.VMEM((SC_CHUNK, d), jnp.float32),
            pltpu.VMEM((SC_CHUNK, d), jnp.float32),
            pltpu.SemaphoreType.DMA,
            pltpu.SemaphoreType.DMA,
            pltpu.SemaphoreType.DMA,
            pltpu.SemaphoreType.DMA,
        ],
    )
    def gather_k(feat_hbm, a_hbm, idx_hbm, fout, aout,
                 idx_v, frows, arows, sf, sa, sof, soa):
        wid = lax.axis_index("s") * info.num_cores + lax.axis_index("c")
        base0 = wid * per_w

        def body(i, carry):
            base = base0 + i * SC_CHUNK
            pltpu.sync_copy(idx_hbm.at[pl.ds(base, SC_CHUNK)], idx_v)

            @pl.when(i > 0)
            def _():
                pltpu.make_async_copy(frows, fout.at[pl.ds(base, SC_CHUNK)], sof).wait()
                pltpu.make_async_copy(arows, aout.at[pl.ds(base, SC_CHUNK)], soa).wait()

            cf = pltpu.async_copy(feat_hbm.at[idx_v], frows, sf)
            ca = pltpu.async_copy(a_hbm.at[idx_v], arows, sa)
            cf.wait()
            ca.wait()
            pltpu.async_copy(frows, fout.at[pl.ds(base, SC_CHUNK)], sof)
            pltpu.async_copy(arows, aout.at[pl.ds(base, SC_CHUNK)], soa)
            return carry

        lax.fori_loop(0, nchunk, body, 0)
        pltpu.make_async_copy(
            frows, fout.at[pl.ds(base0, SC_CHUNK)], sof).wait()
        pltpu.make_async_copy(
            arows, aout.at[pl.ds(base0, SC_CHUNK)], soa).wait()

    return gather_k(feat_flat, a_flat, idx_flat)


def _mlp_body(feat_ref, aq_ref, kf_ref, ka_ref,
              bd1_ref, wd2_ref, bd2_ref,
              wg1_ref, bg1_ref, wg2_ref, bg2_ref, out_ref):
    d = feat_ref.shape[-1]
    kf = kf_ref[0].reshape(R * K, d)
    ka = ka_ref[0].reshape(R * K, d)
    aq = aq_ref[0][:, None, :]
    aq = jnp.broadcast_to(aq, (R, K, d)).reshape(R * K, d)

    h = jnp.maximum((aq - ka) + bd1_ref[...], 0.0)
    de = jnp.dot(h.astype(jnp.bfloat16), wd2_ref[...],
                 preferred_element_type=jnp.float32) + bd2_ref[...]
    xk = kf + de

    gp = jnp.dot(xk.astype(jnp.bfloat16), wg1_ref[...],
                 preferred_element_type=jnp.float32) + bg1_ref[...]
    g = jnp.maximum(gp, 0.0)
    w = jnp.dot(g.astype(jnp.bfloat16), wg2_ref[...],
                preferred_element_type=jnp.float32) + bg2_ref[...]

    w3 = w.reshape(R, K, d)
    mx = jnp.max(w3, axis=1, keepdims=True)
    e = jnp.exp(w3 - mx)
    sm = e / jnp.sum(e, axis=1, keepdims=True)
    res = jnp.sum(sm * xk.reshape(R, K, d), axis=1)
    out_ref[0] = feat_ref[0] + res


def _mlp(features, aq, kfeat, ka, bd1, wd2t, bd2, wg1t, bg1, wg2t, bg2):
    bsz, n, d = features.shape
    grid = (bsz, n // R)
    return pl.pallas_call(
        _mlp_body,
        grid=grid,
        in_specs=[
            pl.BlockSpec((1, R, d), lambda b, r: (b, r, 0)),
            pl.BlockSpec((1, R, d), lambda b, r: (b, r, 0)),
            pl.BlockSpec((1, R, K, d), lambda b, r: (b, r, 0, 0)),
            pl.BlockSpec((1, R, K, d), lambda b, r: (b, r, 0, 0)),
            pl.BlockSpec(bd1.shape, lambda b, r: (0, 0)),
            pl.BlockSpec(wd2t.shape, lambda b, r: (0, 0)),
            pl.BlockSpec(bd2.shape, lambda b, r: (0, 0)),
            pl.BlockSpec(wg1t.shape, lambda b, r: (0, 0)),
            pl.BlockSpec(bg1.shape, lambda b, r: (0, 0)),
            pl.BlockSpec(wg2t.shape, lambda b, r: (0, 0)),
            pl.BlockSpec(bg2.shape, lambda b, r: (0, 0)),
        ],
        out_specs=pl.BlockSpec((1, R, d), lambda b, r: (b, r, 0)),
        out_shape=jax.ShapeDtypeStruct((bsz, n, d), jnp.float32),
    )(features, aq, kfeat, ka, bd1, wd2t, bd2, wg1t, bg1, wg2t, bg2)


NSPLIT = 4


def kernel(xyz, features, W_d1, b_d1, W_d2, b_d2, W_g1, b_g1, W_g2, b_g2):
    bsz, n, _ = xyz.shape
    d = features.shape[-1]

    w1t = W_d1.T
    bf = jnp.bfloat16
    mlp_consts = (
        b_d1.reshape(1, d), W_d2.T.astype(bf), b_d2.reshape(1, d),
        W_g1.T.astype(bf), b_g1.reshape(1, d), W_g2.T.astype(bf),
        b_g2.reshape(1, d),
    )

    bh = bsz // NSPLIT
    knns = []
    for h in range(NSPLIT):
        xyz_h = xyz[h * bh:(h + 1) * bh]
        xyzT_h = jnp.transpose(xyz_h, (0, 2, 1))
        knns.append(_knn_indices(xyz_h, xyzT_h, w1t))

    gathers = []
    for h in range(NSPLIT):
        idx, aq = knns[h]
        feat_flat = features[h * bh:(h + 1) * bh].reshape(bh * n, d)
        a_flat = aq.reshape(bh * n, d)
        gathers.append(_sc_gather(feat_flat, a_flat, idx.reshape(bh * n * K)))

    outs = []
    for h in range(NSPLIT):
        kfeat, ka = gathers[h]
        outs.append(_mlp(
            features[h * bh:(h + 1) * bh], knns[h][1],
            kfeat.reshape(bh, n, K, d), ka.reshape(bh, n, K, d), *mlp_consts))
    return jnp.concatenate(outs, axis=0)

# --- scband reference (transcript-rebuilt; emitter-appended) ---
"""Pipeline reference for scband-transformer-block-82660940579281 (READ-ONLY COPY).

The authoritative reference and input builder live on the scoring server;
editing this copy changes nothing except your own understanding.
"""

import jax, jax.numpy as jnp
import numpy as np

B, N, K, D = 8, 2048, 16, 128


def setup_inputs(seed: int = 0) -> dict:
    key = jax.random.key(seed)
    ks = jax.random.split(key, 10)
    return {
        "xyz": jax.random.normal(ks[0], (B, N, 3), dtype=jnp.float32),
        "features": jax.random.normal(ks[1], (B, N, D), dtype=jnp.float32),
        "W_d1": jax.random.normal(ks[2], (D, 3), dtype=jnp.float32) * 0.1,
        "b_d1": jnp.zeros((D,), dtype=jnp.float32),
        "W_d2": jax.random.normal(ks[3], (D, D), dtype=jnp.float32) * 0.05,
        "b_d2": jnp.zeros((D,), dtype=jnp.float32),
        "W_g1": jax.random.normal(ks[4], (D, D), dtype=jnp.float32) * 0.05,
        "b_g1": jnp.zeros((D,), dtype=jnp.float32),
        "W_g2": jax.random.normal(ks[5], (D, D), dtype=jnp.float32) * 0.05,
        "b_g2": jnp.zeros((D,), dtype=jnp.float32),
    }


def reference(xyz, features, W_d1, b_d1, W_d2, b_d2, W_g1, b_g1, W_g2, b_g2):
    # square_distance(xyz, xyz)
    dists = -2.0 * jnp.einsum('bnc,bmc->bnm', xyz, xyz)
    sq = jnp.sum(xyz ** 2, axis=-1)
    dists = dists + sq[:, :, None] + sq[:, None, :]
    # kNN indices (argsort, take first k)
    knn_idx = jnp.argsort(dists, axis=-1)[:, :, :K]  # (B, N, K)
    # index_points: per-batch gather
    gather = jax.vmap(lambda p, i: p[i])
    knn_xyz = gather(xyz, knn_idx)          # (B, N, K, 3)
    delta = xyz[:, :, None, :] - knn_xyz    # (B, N, K, 3)
    # fc_delta: Linear(3,D) -> ReLU -> Linear(D,D)
    delta_enc = jax.nn.relu(delta @ W_d1.T + b_d1) @ W_d2.T + b_d2  # (B,N,K,D)
    knn_features = gather(features, knn_idx)  # (B, N, K, D)
    x_k = knn_features + delta_enc
    # fc_gamma: Linear(D,D) -> ReLU -> Linear(D,D)
    w = jax.nn.relu(x_k @ W_g1.T + b_g1) @ W_g2.T + b_g2
    w = jax.nn.softmax(w, axis=2)
    res = jnp.sum(w * x_k, axis=2)  # (B, N, D)
    return features + res

if __name__ == "__main__":
    import jax
    _d = setup_inputs()
    print(jax.jit(kernel)(*tuple(_d.values())))

</pallas_src>

<mosaic_0001>
#map = affine_map<(d0, d1) -> (0, 0)>
#map1 = affine_map<(d0, d1) -> (0)>
module attributes {stable_mosaic.version = 14 : i64} {
  func.func @gather_k(%arg0: i32, %arg1: i32, %arg2: memref<4096x128xf32, #tpu.memory_space<hbm>>, %arg3: memref<4096x128xf32, #tpu.memory_space<hbm>>, %arg4: memref<65536xi32, #tpu.memory_space<hbm>>, %arg5: memref<65536x128xf32, #tpu.memory_space<hbm>>, %arg6: memref<65536x128xf32, #tpu.memory_space<hbm>>, %arg7: memref<128xi32, #tpu.memory_space<vmem>>, %arg8: memref<128x128xf32, #tpu.memory_space<vmem>>, %arg9: memref<128x128xf32, #tpu.memory_space<vmem>>, %arg10: memref<!tpu.dma_semaphore, #tpu.memory_space<semaphore_mem>>, %arg11: memref<!tpu.dma_semaphore, #tpu.memory_space<semaphore_mem>>, %arg12: memref<!tpu.dma_semaphore, #tpu.memory_space<semaphore_mem>>, %arg13: memref<!tpu.dma_semaphore, #tpu.memory_space<semaphore_mem>>) attributes {dimension_semantics = [#tpu.dimension_semantics<core_parallel>, #tpu.dimension_semantics<subcore_parallel>], iteration_bounds = array<i64: 2, 16>, scalar_prefetch = 0 : i64, scratch_operands = 7 : i64, tpu.core_type = #tpu.core_type<sc_vector_subcore>, window_params = [{transform_indices = #map}, {transform_indices = #map}, {transform_indices = #map1}, {transform_indices = #map}, {transform_indices = #map}]} {
    %mul3A = arith.constant 2 : i32
    %mul3A_0 = arith.muli %arg1, %mul3A : i32
    %add3A = arith.addi %mul3A_0, %arg0 : i32
    %mul3A_1 = arith.constant 2048 : i32
    %mul3A_2 = arith.muli %add3A, %mul3A_1 : i32
    %scan3A = arith.constant 0 : i32
    %scan3A_3 = arith.constant 0 : i32
    %scan3A_4 = arith.constant 16 : i32
    %scan3A_5 = arith.addi %scan3A_3, %scan3A_4 : i32
    %scan3A_6 = arith.constant 1 : i32
    scf.for %scan3A_15 = %scan3A_3 to %scan3A_5 step %scan3A_6  : i32 {
      %mul3A_16 = arith.constant 128 : i32
      %mul3A_17 = arith.muli %scan3A_15, %mul3A_16 : i32
      %add3A_18 = arith.addi %mul3A_2, %mul3A_17 : i32
      "tpu.region"() ({
        %run_scoped3A = tpu.sem_alloc : memref<!tpu.dma_semaphore, #tpu.memory_space<semaphore_mem>>
        %dma_start3A_40 = tpu.memref_slice %arg4[%add3A_18] : memref<65536xi32, #tpu.memory_space<hbm>> -> memref<128xi32, #tpu.memory_space<hbm>>
        %dma_start3A_41 = tpu.memref_slice %arg4[%add3A_18] : memref<65536xi32, #tpu.memory_space<hbm>> -> memref<128xi32, #tpu.memory_space<hbm>>
        tpu.enqueue_dma source(%dma_start3A_41 : memref<128xi32, #tpu.memory_space<hbm>>) target(%arg7 : memref<128xi32, #tpu.memory_space<vmem>>) target_semaphore(%run_scoped3A : memref<!tpu.dma_semaphore, #tpu.memory_space<semaphore_mem>>)
        %dma_wait3A_42 = tpu.memref_slice %arg4[%add3A_18] : memref<65536xi32, #tpu.memory_space<hbm>> -> memref<128xi32, #tpu.memory_space<hbm>>
        %dma_wait3A_43 = tpu.memref_slice %arg4[%add3A_18] : memref<65536xi32, #tpu.memory_space<hbm>> -> memref<128xi32, #tpu.memory_space<hbm>>
        tpu.wait_dma2 semaphore(%run_scoped3A : memref<!tpu.dma_semaphore, #tpu.memory_space<semaphore_mem>>) src(%dma_wait3A_43 : memref<128xi32, #tpu.memory_space<hbm>>) dst(%arg7 : memref<128xi32, #tpu.memory_space<vmem>>)
        tpu.yield
      }) : () -> ()
      %gt3A = arith.constant 0 : i32
      %gt3A_19 = arith.cmpi sgt, %scan3A_15, %gt3A : i32
      %convert_element_type3A = arith.extui %gt3A_19 : i1 to i32
      %cond3A = arith.constant 0 : i32
      %cond3A_20 = arith.cmpi ne, %convert_element_type3A, %cond3A : i32
      scf.if %cond3A_20 {
        %dma_wait3A_40 = arith.constant 0 : i32
        %dma_wait3A_41 = tpu.memref_slice %arg5[%add3A_18, %dma_wait3A_40] : memref<65536x128xf32, #tpu.memory_space<hbm>> -> memref<128x128xf32, #tpu.memory_space<hbm>>
        %dma_wait3A_42 = arith.constant 0 : i32
        %dma_wait3A_43 = tpu.memref_slice %arg5[%add3A_18, %dma_wait3A_42] : memref<65536x128xf32, #tpu.memory_space<hbm>> -> memref<128x128xf32, #tpu.memory_space<hbm>>
        tpu.wait_dma2 semaphore(%arg12 : memref<!tpu.dma_semaphore, #tpu.memory_space<semaphore_mem>>) src(%arg8 : memref<128x128xf32, #tpu.memory_space<vmem>>) dst(%dma_wait3A_43 : memref<128x128xf32, #tpu.memory_space<hbm>>)
        %dma_wait3A_44 = arith.constant 0 : i32
        %dma_wait3A_45 = tpu.memref_slice %arg6[%add3A_18, %dma_wait3A_44] : memref<65536x128xf32, #tpu.memory_space<hbm>> -> memref<128x128xf32, #tpu.memory_space<hbm>>
        %dma_wait3A_46 = arith.constant 0 : i32
        %dma_wait3A_47 = tpu.memref_slice %arg6[%add3A_18, %dma_wait3A_46] : memref<65536x128xf32, #tpu.memory_space<hbm>> -> memref<128x128xf32, #tpu.memory_space<hbm>>
        tpu.wait_dma2 semaphore(%arg13 : memref<!tpu.dma_semaphore, #tpu.memory_space<semaphore_mem>>) src(%arg9 : memref<128x128xf32, #tpu.memory_space<vmem>>) dst(%dma_wait3A_47 : memref<128x128xf32, #tpu.memory_space<hbm>>)
      } else {
      }
      %dma_start3A = arith.constant 0 : i32
      %dma_start3A_21 = arith.constant 0 : i32
      %dma_start3A_22 = tpu.memref_slice %arg2[%dma_start3A, %dma_start3A_21] : memref<4096x128xf32, #tpu.memory_space<hbm>> -> memref<4096x128xf32, #tpu.memory_space<hbm>>
      tpu.enqueue_indirect_dma source(%dma_start3A_22 : memref<4096x128xf32, #tpu.memory_space<hbm>>) target(%arg8 : memref<128x128xf32, #tpu.memory_space<vmem>>) offsets(%arg7 : memref<128xi32, #tpu.memory_space<vmem>>) semaphore(%arg10 : memref<!tpu.dma_semaphore, #tpu.memory_space<semaphore_mem>>)
      %dma_start3A_23 = arith.constant 0 : i32
      %dma_start3A_24 = arith.constant 0 : i32
      %dma_start3A_25 = tpu.memref_slice %arg3[%dma_start3A_23, %dma_start3A_24] : memref<4096x128xf32, #tpu.memory_space<hbm>> -> memref<4096x128xf32, #tpu.memory_space<hbm>>
      tpu.enqueue_indirect_dma source(%dma_start3A_25 : memref<4096x128xf32, #tpu.memory_space<hbm>>) target(%arg9 : memref<128x128xf32, #tpu.memory_space<vmem>>) offsets(%arg7 : memref<128xi32, #tpu.memory_space<vmem>>) semaphore(%arg11 : memref<!tpu.dma_semaphore, #tpu.memory_space<semaphore_mem>>)
      %dma_wait3A_26 = arith.constant 0 : i32
      %dma_wait3A_27 = arith.constant 0 : i32
      %dma_wait3A_28 = tpu.memref_slice %arg2[%dma_wait3A_26, %dma_wait3A_27] : memref<4096x128xf32, #tpu.memory_space<hbm>> -> memref<4096x128xf32, #tpu.memory_space<hbm>>
      tpu.wait_indirect_dma semaphore(%arg10 : memref<!tpu.dma_semaphore, #tpu.memory_space<semaphore_mem>>) src(%dma_wait3A_28 : memref<4096x128xf32, #tpu.memory_space<hbm>>) dst(%arg8 : memref<128x128xf32, #tpu.memory_space<vmem>>)
      %dma_wait3A_29 = arith.constant 0 : i32
      %dma_wait3A_30 = arith.constant 0 : i32
      %dma_wait3A_31 = tpu.memref_slice %arg3[%dma_wait3A_29, %dma_wait3A_30] : memref<4096x128xf32, #tpu.memory_space<hbm>> -> memref<4096x128xf32, #tpu.memory_space<hbm>>
      tpu.wait_indirect_dma semaphore(%arg11 : memref<!tpu.dma_semaphore, #tpu.memory_space<semaphore_mem>>) src(%dma_wait3A_31 : memref<4096x128xf32, #tpu.memory_space<hbm>>) dst(%arg9 : memref<128x128xf32, #tpu.memory_space<vmem>>)
      %dma_start3A_32 = arith.constant 0 : i32
      %dma_start3A_33 = tpu.memref_slice %arg5[%add3A_18, %dma_start3A_32] : memref<65536x128xf32, #tpu.memory_space<hbm>> -> memref<128x128xf32, #tpu.memory_space<hbm>>
      %dma_start3A_34 = arith.constant 0 : i32
      %dma_start3A_35 = tpu.memref_slice %arg5[%add3A_18, %dma_start3A_34] : memref<65536x128xf32, #tpu.memory_space<hbm>> -> memref<128x128xf32, #tpu.memory_space<hbm>>
      tpu.enqueue_dma source(%arg8 : memref<128x128xf32, #tpu.memory_space<vmem>>) target(%dma_start3A_35 : memref<128x128xf32, #tpu.memory_space<hbm>>) target_semaphore(%arg12 : memref<!tpu.dma_semaphore, #tpu.memory_space<semaphore_mem>>)
      %dma_start3A_36 = arith.constant 0 : i32
      %dma_start3A_37 = tpu.memref_slice %arg6[%add3A_18, %dma_start3A_36] : memref<65536x128xf32, #tpu.memory_space<hbm>> -> memref<128x128xf32, #tpu.memory_space<hbm>>
      %dma_start3A_38 = arith.constant 0 : i32
      %dma_start3A_39 = tpu.memref_slice %arg6[%add3A_18, %dma_start3A_38] : memref<65536x128xf32, #tpu.memory_space<hbm>> -> memref<128x128xf32, #tpu.memory_space<hbm>>
      tpu.enqueue_dma source(%arg9 : memref<128x128xf32, #tpu.memory_space<vmem>>) target(%dma_start3A_39 : memref<128x128xf32, #tpu.memory_space<hbm>>) target_semaphore(%arg13 : memref<!tpu.dma_semaphore, #tpu.memory_space<semaphore_mem>>)
    }
    %scan3A_7 = arith.constant 16 : i32
    %dma_wait3A = arith.constant 0 : i32
    %dma_wait3A_8 = tpu.memref_slice %arg5[%mul3A_2, %dma_wait3A] : memref<65536x128xf32, #tpu.memory_space<hbm>> -> memref<128x128xf32, #tpu.memory_space<hbm>>
    %dma_wait3A_9 = arith.constant 0 : i32
    %dma_wait3A_10 = tpu.memref_slice %arg5[%mul3A_2, %dma_wait3A_9] : memref<65536x128xf32, #tpu.memory_space<hbm>> -> memref<128x128xf32, #tpu.memory_space<hbm>>
    tpu.wait_dma2 semaphore(%arg12 : memref<!tpu.dma_semaphore, #tpu.memory_space<semaphore_mem>>) src(%arg8 : memref<128x128xf32, #tpu.memory_space<vmem>>) dst(%dma_wait3A_10 : memref<128x128xf32, #tpu.memory_space<hbm>>)
    %dma_wait3A_11 = arith.constant 0 : i32
    %dma_wait3A_12 = tpu.memref_slice %arg6[%mul3A_2, %dma_wait3A_11] : memref<65536x128xf32, #tpu.memory_space<hbm>> -> memref<128x128xf32, #tpu.memory_space<hbm>>
    %dma_wait3A_13 = arith.constant 0 : i32
    %dma_wait3A_14 = tpu.memref_slice %arg6[%mul3A_2, %dma_wait3A_13] : memref<65536x128xf32, #tpu.memory_space<hbm>> -> memref<128x128xf32, #tpu.memory_space<hbm>>
    tpu.wait_dma2 semaphore(%arg13 : memref<!tpu.dma_semaphore, #tpu.memory_space<semaphore_mem>>) src(%arg9 : memref<128x128xf32, #tpu.memory_space<vmem>>) dst(%dma_wait3A_14 : memref<128x128xf32, #tpu.memory_space<hbm>>)
    return
  }
}

#map = affine_map<(d0, d1) -> (0, 0)>
#map1 = affine_map<(d0, d1) -> (0)>
module attributes {stable_mosaic.version = 14 : i64} {
  func.func @gather_k(%arg0: i32, %arg1: i32, %arg2: memref<4096x128xf32, #tpu.memory_space<hbm>>, %arg3: memref<4096x128xf32, #tpu.memory_space<hbm>>, %arg4: memref<65536xi32, #tpu.memory_space<hbm>>, %arg5: memref<65536x128xf32, #tpu.memory_space<hbm>>, %arg6: memref<65536x128xf32, #tpu.memory_space<hbm>>, %arg7: memref<128xi32, #tpu.memory_space<vmem>>, %arg8: memref<128x128xf32, #tpu.memory_space<vmem>>, %arg9: memref<128x128xf32, #tpu.memory_space<vmem>>, %arg10: memref<!tpu.dma_semaphore, #tpu.memory_space<semaphore_mem>>, %arg11: memref<!tpu.dma_semaphore, #tpu.memory_space<semaphore_mem>>, %arg12: memref<!tpu.dma_semaphore, #tpu.memory_space<semaphore_mem>>, %arg13: memref<!tpu.dma_semaphore, #tpu.memory_space<semaphore_mem>>) attributes {dimension_semantics = [#tpu.dimension_semantics<core_parallel>, #tpu.dimension_semantics<subcore_parallel>], iteration_bounds = array<i64: 2, 16>, scalar_prefetch = 0 : i64, scratch_operands = 7 : i64, tpu.core_type = #tpu.core_type<sc_vector_subcore>, window_params = [{transform_indices = #map}, {transform_indices = #map}, {transform_indices = #map1}, {transform_indices = #map}, {transform_indices = #map}]} {
    %mul3A = arith.constant 2 : i32
    %mul3A_0 = arith.muli %arg1, %mul3A : i32
    %add3A = arith.addi %mul3A_0, %arg0 : i32
    %mul3A_1 = arith.constant 2048 : i32
    %mul3A_2 = arith.muli %add3A, %mul3A_1 : i32
    %scan3A = arith.constant 0 : i32
    %scan3A_3 = arith.constant 0 : i32
    %scan3A_4 = arith.constant 16 : i32
    %scan3A_5 = arith.addi %scan3A_3, %scan3A_4 : i32
    %scan3A_6 = arith.constant 1 : i32
    scf.for %scan3A_15 = %scan3A_3 to %scan3A_5 step %scan3A_6  : i32 {
      %mul3A_16 = arith.constant 128 : i32
      %mul3A_17 = arith.muli %scan3A_15, %mul3A_16 : i32
      %add3A_18 = arith.addi %mul3A_2, %mul3A_17 : i32
      "tpu.region"() ({
        %run_scoped3A = tpu.sem_alloc : memref<!tpu.dma_semaphore, #tpu.memory_space<semaphore_mem>>
        %dma_start3A_40 = tpu.memref_slice %arg4[%add3A_18] : memref<65536xi32, #tpu.memory_space<hbm>> -> memref<128xi32, #tpu.memory_space<hbm>>
        %dma_start3A_41 = tpu.memref_slice %arg4[%add3A_18] : memref<65536xi32, #tpu.memory_space<hbm>> -> memref<128xi32, #tpu.memory_space<hbm>>
        tpu.enqueue_dma source(%dma_start3A_41 : memref<128xi32, #tpu.memory_space<hbm>>) target(%arg7 : memref<128xi32, #tpu.memory_space<vmem>>) target_semaphore(%run_scoped3A : memref<!tpu.dma_semaphore, #tpu.memory_space<semaphore_mem>>)
        %dma_wait3A_42 = tpu.memref_slice %arg4[%add3A_18] : memref<65536xi32, #tpu.memory_space<hbm>> -> memref<128xi32, #tpu.memory_space<hbm>>
        %dma_wait3A_43 = tpu.memref_slice %arg4[%add3A_18] : memref<65536xi32, #tpu.memory_space<hbm>> -> memref<128xi32, #tpu.memory_space<hbm>>
        tpu.wait_dma2 semaphore(%run_scoped3A : memref<!tpu.dma_semaphore, #tpu.memory_space<semaphore_mem>>) src(%dma_wait3A_43 : memref<128xi32, #tpu.memory_space<hbm>>) dst(%arg7 : memref<128xi32, #tpu.memory_space<vmem>>)
        tpu.yield
      }) : () -> ()
      %gt3A = arith.constant 0 : i32
      %gt3A_19 = arith.cmpi sgt, %scan3A_15, %gt3A : i32
      %convert_element_type3A = arith.extui %gt3A_19 : i1 to i32
      %cond3A = arith.constant 0 : i32
      %cond3A_20 = arith.cmpi ne, %convert_element_type3A, %cond3A : i32
      scf.if %cond3A_20 {
        %dma_wait3A_40 = arith.constant 0 : i32
        %dma_wait3A_41 = tpu.memref_slice %arg5[%add3A_18, %dma_wait3A_40] : memref<65536x128xf32, #tpu.memory_space<hbm>> -> memref<128x128xf32, #tpu.memory_space<hbm>>
        %dma_wait3A_42 = arith.constant 0 : i32
        %dma_wait3A_43 = tpu.memref_slice %arg5[%add3A_18, %dma_wait3A_42] : memref<65536x128xf32, #tpu.memory_space<hbm>> -> memref<128x128xf32, #tpu.memory_space<hbm>>
        tpu.wait_dma2 semaphore(%arg12 : memref<!tpu.dma_semaphore, #tpu.memory_space<semaphore_mem>>) src(%arg8 : memref<128x128xf32, #tpu.memory_space<vmem>>) dst(%dma_wait3A_43 : memref<128x128xf32, #tpu.memory_space<hbm>>)
        %dma_wait3A_44 = arith.constant 0 : i32
        %dma_wait3A_45 = tpu.memref_slice %arg6[%add3A_18, %dma_wait3A_44] : memref<65536x128xf32, #tpu.memory_space<hbm>> -> memref<128x128xf32, #tpu.memory_space<hbm>>
        %dma_wait3A_46 = arith.constant 0 : i32
        %dma_wait3A_47 = tpu.memref_slice %arg6[%add3A_18, %dma_wait3A_46] : memref<65536x128xf32, #tpu.memory_space<hbm>> -> memref<128x128xf32, #tpu.memory_space<hbm>>
        tpu.wait_dma2 semaphore(%arg13 : memref<!tpu.dma_semaphore, #tpu.memory_space<semaphore_mem>>) src(%arg9 : memref<128x128xf32, #tpu.memory_space<vmem>>) dst(%dma_wait3A_47 : memref<128x128xf32, #tpu.memory_space<hbm>>)
      } else {
      }
      %dma_start3A = arith.constant 0 : i32
      %dma_start3A_21 = arith.constant 0 : i32
      %dma_start3A_22 = tpu.memref_slice %arg2[%dma_start3A, %dma_start3A_21] : memref<4096x128xf32, #tpu.memory_space<hbm>> -> memref<4096x128xf32, #tpu.memory_space<hbm>>
      tpu.enqueue_indirect_dma source(%dma_start3A_22 : memref<4096x128xf32, #tpu.memory_space<hbm>>) target(%arg8 : memref<128x128xf32, #tpu.memory_space<vmem>>) offsets(%arg7 : memref<128xi32, #tpu.memory_space<vmem>>) semaphore(%arg10 : memref<!tpu.dma_semaphore, #tpu.memory_space<semaphore_mem>>)
      %dma_start3A_23 = arith.constant 0 : i32
      %dma_start3A_24 = arith.constant 0 : i32
      %dma_start3A_25 = tpu.memref_slice %arg3[%dma_start3A_23, %dma_start3A_24] : memref<4096x128xf32, #tpu.memory_space<hbm>> -> memref<4096x128xf32, #tpu.memory_space<hbm>>
      tpu.enqueue_indirect_dma source(%dma_start3A_25 : memref<4096x128xf32, #tpu.memory_space<hbm>>) target(%arg9 : memref<128x128xf32, #tpu.memory_space<vmem>>) offsets(%arg7 : memref<128xi32, #tpu.memory_space<vmem>>) semaphore(%arg11 : memref<!tpu.dma_semaphore, #tpu.memory_space<semaphore_mem>>)
      %dma_wait3A_26 = arith.constant 0 : i32
      %dma_wait3A_27 = arith.constant 0 : i32
      %dma_wait3A_28 = tpu.memref_slice %arg2[%dma_wait3A_26, %dma_wait3A_27] : memref<4096x128xf32, #tpu.memory_space<hbm>> -> memref<4096x128xf32, #tpu.memory_space<hbm>>
      tpu.wait_indirect_dma semaphore(%arg10 : memref<!tpu.dma_semaphore, #tpu.memory_space<semaphore_mem>>) src(%dma_wait3A_28 : memref<4096x128xf32, #tpu.memory_space<hbm>>) dst(%arg8 : memref<128x128xf32, #tpu.memory_space<vmem>>)
      %dma_wait3A_29 = arith.constant 0 : i32
      %dma_wait3A_30 = arith.constant 0 : i32
      %dma_wait3A_31 = tpu.memref_slice %arg3[%dma_wait3A_29, %dma_wait3A_30] : memref<4096x128xf32, #tpu.memory_space<hbm>> -> memref<4096x128xf32, #tpu.memory_space<hbm>>
      tpu.wait_indirect_dma semaphore(%arg11 : memref<!tpu.dma_semaphore, #tpu.memory_space<semaphore_mem>>) src(%dma_wait3A_31 : memref<4096x128xf32, #tpu.memory_space<hbm>>) dst(%arg9 : memref<128x128xf32, #tpu.memory_space<vmem>>)
      %dma_start3A_32 = arith.constant 0 : i32
      %dma_start3A_33 = tpu.memref_slice %arg5[%add3A_18, %dma_start3A_32] : memref<65536x128xf32, #tpu.memory_space<hbm>> -> memref<128x128xf32, #tpu.memory_space<hbm>>
      %dma_start3A_34 = arith.constant 0 : i32
      %dma_start3A_35 = tpu.memref_slice %arg5[%add3A_18, %dma_start3A_34] : memref<65536x128xf32, #tpu.memory_space<hbm>> -> memref<128x128xf32, #tpu.memory_space<hbm>>
      tpu.enqueue_dma source(%arg8 : memref<128x128xf32, #tpu.memory_space<vmem>>) target(%dma_start3A_35 : memref<128x128xf32, #tpu.memory_space<hbm>>) target_semaphore(%arg12 : memref<!tpu.dma_semaphore, #tpu.memory_space<semaphore_mem>>)
      %dma_start3A_36 = arith.constant 0 : i32
      %dma_start3A_37 = tpu.memref_slice %arg6[%add3A_18, %dma_start3A_36] : memref<65536x128xf32, #tpu.memory_space<hbm>> -> memref<128x128xf32, #tpu.memory_space<hbm>>
      %dma_start3A_38 = arith.constant 0 : i32
      %dma_start3A_39 = tpu.memref_slice %arg6[%add3A_18, %dma_start3A_38] : memref<65536x128xf32, #tpu.memory_space<hbm>> -> memref<128x128xf32, #tpu.memory_space<hbm>>
      tpu.enqueue_dma source(%arg9 : memref<128x128xf32, #tpu.memory_space<vmem>>) target(%dma_start3A_39 : memref<128x128xf32, #tpu.memory_space<hbm>>) target_semaphore(%arg13 : memref<!tpu.dma_semaphore, #tpu.memory_space<semaphore_mem>>)
    }
    %scan3A_7 = arith.constant 16 : i32
    %dma_wait3A = arith.constant 0 : i32
    %dma_wait3A_8 = tpu.memref_slice %arg5[%mul3A_2, %dma_wait3A] : memref<65536x128xf32, #tpu.memory_space<hbm>> -> memref<128x128xf32, #tpu.memory_space<hbm>>
    %dma_wait3A_9 = arith.constant 0 : i32
    %dma_wait3A_10 = tpu.memref_slice %arg5[%mul3A_2, %dma_wait3A_9] : memref<65536x128xf32, #tpu.memory_space<hbm>> -> memref<128x128xf32, #tpu.memory_space<hbm>>
    tpu.wait_dma2 semaphore(%arg12 : memref<!tpu.dma_semaphore, #tpu.memory_space<semaphore_mem>>) src(%arg8 : memref<128x128xf32, #tpu.memory_space<vmem>>) dst(%dma_wait3A_10 : memref<128x128xf32, #tpu.memory_space<hbm>>)
    %dma_wait3A_11 = arith.constant 0 : i32
    %dma_wait3A_12 = tpu.memref_slice %arg6[%mul3A_2, %dma_wait3A_11] : memref<65536x128xf32, #tpu.memory_space<hbm>> -> memref<128x128xf32, #tpu.memory_space<hbm>>
    %dma_wait3A_13 = arith.constant 0 : i32
    %dma_wait3A_14 = tpu.memref_slice %arg6[%mul3A_2, %dma_wait3A_13] : memref<65536x128xf32, #tpu.memory_space<hbm>> -> memref<128x128xf32, #tpu.memory_space<hbm>>
    tpu.wait_dma2 semaphore(%arg13 : memref<!tpu.dma_semaphore, #tpu.memory_space<semaphore_mem>>) src(%arg9 : memref<128x128xf32, #tpu.memory_space<vmem>>) dst(%dma_wait3A_14 : memref<128x128xf32, #tpu.memory_space<hbm>>)
    return
  }
}

#map = affine_map<(d0, d1) -> (0, 0)>
#map1 = affine_map<(d0, d1) -> (0)>
module attributes {stable_mosaic.version = 14 : i64} {
  func.func @gather_k(%arg0: i32, %arg1: i32, %arg2: memref<4096x128xf32, #tpu.memory_space<hbm>>, %arg3: memref<4096x128xf32, #tpu.memory_space<hbm>>, %arg4: memref<65536xi32, #tpu.memory_space<hbm>>, %arg5: memref<65536x128xf32, #tpu.memory_space<hbm>>, %arg6: memref<65536x128xf32, #tpu.memory_space<hbm>>, %arg7: memref<128xi32, #tpu.memory_space<vmem>>, %arg8: memref<128x128xf32, #tpu.memory_space<vmem>>, %arg9: memref<128x128xf32, #tpu.memory_space<vmem>>, %arg10: memref<!tpu.dma_semaphore, #tpu.memory_space<semaphore_mem>>, %arg11: memref<!tpu.dma_semaphore, #tpu.memory_space<semaphore_mem>>, %arg12: memref<!tpu.dma_semaphore, #tpu.memory_space<semaphore_mem>>, %arg13: memref<!tpu.dma_semaphore, #tpu.memory_space<semaphore_mem>>) attributes {dimension_semantics = [#tpu.dimension_semantics<core_parallel>, #tpu.dimension_semantics<subcore_parallel>], iteration_bounds = array<i64: 2, 16>, scalar_prefetch = 0 : i64, scratch_operands = 7 : i64, tpu.core_type = #tpu.core_type<sc_vector_subcore>, window_params = [{transform_indices = #map}, {transform_indices = #map}, {transform_indices = #map1}, {transform_indices = #map}, {transform_indices = #map}]} {
    %mul3A = arith.constant 2 : i32
    %mul3A_0 = arith.muli %arg1, %mul3A : i32
    %add3A = arith.addi %mul3A_0, %arg0 : i32
    %mul3A_1 = arith.constant 2048 : i32
    %mul3A_2 = arith.muli %add3A, %mul3A_1 : i32
    %scan3A = arith.constant 0 : i32
    %scan3A_3 = arith.constant 0 : i32
    %scan3A_4 = arith.constant 16 : i32
    %scan3A_5 = arith.addi %scan3A_3, %scan3A_4 : i32
    %scan3A_6 = arith.constant 1 : i32
    scf.for %scan3A_15 = %scan3A_3 to %scan3A_5 step %scan3A_6  : i32 {
      %mul3A_16 = arith.constant 128 : i32
      %mul3A_17 = arith.muli %scan3A_15, %mul3A_16 : i32
      %add3A_18 = arith.addi %mul3A_2, %mul3A_17 : i32
      "tpu.region"() ({
        %run_scoped3A = tpu.sem_alloc : memref<!tpu.dma_semaphore, #tpu.memory_space<semaphore_mem>>
        %dma_start3A_40 = tpu.memref_slice %arg4[%add3A_18] : memref<65536xi32, #tpu.memory_space<hbm>> -> memref<128xi32, #tpu.memory_space<hbm>>
        %dma_start3A_41 = tpu.memref_slice %arg4[%add3A_18] : memref<65536xi32, #tpu.memory_space<hbm>> -> memref<128xi32, #tpu.memory_space<hbm>>
        tpu.enqueue_dma source(%dma_start3A_41 : memref<128xi32, #tpu.memory_space<hbm>>) target(%arg7 : memref<128xi32, #tpu.memory_space<vmem>>) target_semaphore(%run_scoped3A : memref<!tpu.dma_semaphore, #tpu.memory_space<semaphore_mem>>)
        %dma_wait3A_42 = tpu.memref_slice %arg4[%add3A_18] : memref<65536xi32, #tpu.memory_space<hbm>> -> memref<128xi32, #tpu.memory_space<hbm>>
        %dma_wait3A_43 = tpu.memref_slice %arg4[%add3A_18] : memref<65536xi32, #tpu.memory_space<hbm>> -> memref<128xi32, #tpu.memory_space<hbm>>
        tpu.wait_dma2 semaphore(%run_scoped3A : memref<!tpu.dma_semaphore, #tpu.memory_space<semaphore_mem>>) src(%dma_wait3A_43 : memref<128xi32, #tpu.memory_space<hbm>>) dst(%arg7 : memref<128xi32, #tpu.memory_space<vmem>>)
        tpu.yield
      }) : () -> ()
      %gt3A = arith.constant 0 : i32
      %gt3A_19 = arith.cmpi sgt, %scan3A_15, %gt3A : i32
      %convert_element_type3A = arith.extui %gt3A_19 : i1 to i32
      %cond3A = arith.constant 0 : i32
      %cond3A_20 = arith.cmpi ne, %convert_element_type3A, %cond3A : i32
      scf.if %cond3A_20 {
        %dma_wait3A_40 = arith.constant 0 : i32
        %dma_wait3A_41 = tpu.memref_slice %arg5[%add3A_18, %dma_wait3A_40] : memref<65536x128xf32, #tpu.memory_space<hbm>> -> memref<128x128xf32, #tpu.memory_space<hbm>>
        %dma_wait3A_42 = arith.constant 0 : i32
        %dma_wait3A_43 = tpu.memref_slice %arg5[%add3A_18, %dma_wait3A_42] : memref<65536x128xf32, #tpu.memory_space<hbm>> -> memref<128x128xf32, #tpu.memory_space<hbm>>
        tpu.wait_dma2 semaphore(%arg12 : memref<!tpu.dma_semaphore, #tpu.memory_space<semaphore_mem>>) src(%arg8 : memref<128x128xf32, #tpu.memory_space<vmem>>) dst(%dma_wait3A_43 : memref<128x128xf32, #tpu.memory_space<hbm>>)
        %dma_wait3A_44 = arith.constant 0 : i32
        %dma_wait3A_45 = tpu.memref_slice %arg6[%add3A_18, %dma_wait3A_44] : memref<65536x128xf32, #tpu.memory_space<hbm>> -> memref<128x128xf32, #tpu.memory_space<hbm>>
        %dma_wait3A_46 = arith.constant 0 : i32
        %dma_wait3A_47 = tpu.memref_slice %arg6[%add3A_18, %dma_wait3A_46] : memref<65536x128xf32, #tpu.memory_space<hbm>> -> memref<128x128xf32, #tpu.memory_space<hbm>>
        tpu.wait_dma2 semaphore(%arg13 : memref<!tpu.dma_semaphore, #tpu.memory_space<semaphore_mem>>) src(%arg9 : memref<128x128xf32, #tpu.memory_space<vmem>>) dst(%dma_wait3A_47 : memref<128x128xf32, #tpu.memory_space<hbm>>)
      } else {
      }
      %dma_start3A = arith.constant 0 : i32
      %dma_start3A_21 = arith.constant 0 : i32
      %dma_start3A_22 = tpu.memref_slice %arg2[%dma_start3A, %dma_start3A_21] : memref<4096x128xf32, #tpu.memory_space<hbm>> -> memref<4096x128xf32, #tpu.memory_space<hbm>>
      tpu.enqueue_indirect_dma source(%dma_start3A_22 : memref<4096x128xf32, #tpu.memory_space<hbm>>) target(%arg8 : memref<128x128xf32, #tpu.memory_space<vmem>>) offsets(%arg7 : memref<128xi32, #tpu.memory_space<vmem>>) semaphore(%arg10 : memref<!tpu.dma_semaphore, #tpu.memory_space<semaphore_mem>>)
      %dma_start3A_23 = arith.constant 0 : i32
      %dma_start3A_24 = arith.constant 0 : i32
      %dma_start3A_25 = tpu.memref_slice %arg3[%dma_start3A_23, %dma_start3A_24] : memref<4096x128xf32, #tpu.memory_space<hbm>> -> memref<4096x128xf32, #tpu.memory_space<hbm>>
      tpu.enqueue_indirect_dma source(%dma_start3A_25 : memref<4096x128xf32, #tpu.memory_space<hbm>>) target(%arg9 : memref<128x128xf32, #tpu.memory_space<vmem>>) offsets(%arg7 : memref<128xi32, #tpu.memory_space<vmem>>) semaphore(%arg11 : memref<!tpu.dma_semaphore, #tpu.memory_space<semaphore_mem>>)
      %dma_wait3A_26 = arith.constant 0 : i32
      %dma_wait3A_27 = arith.constant 0 : i32
      %dma_wait3A_28 = tpu.memref_slice %arg2[%dma_wait3A_26, %dma_wait3A_27] : memref<4096x128xf32, #tpu.memory_space<hbm>> -> memref<4096x128xf32, #tpu.memory_space<hbm>>
      tpu.wait_indirect_dma semaphore(%arg10 : memref<!tpu.dma_semaphore, #tpu.memory_space<semaphore_mem>>) src(%dma_wait3A_28 : memref<4096x128xf32, #tpu.memory_space<hbm>>) dst(%arg8 : memref<128x128xf32, #tpu.memory_space<vmem>>)
      %dma_wait3A_29 = arith.constant 0 : i32
      %dma_wait3A_30 = arith.constant 0 : i32
      %dma_wait3A_31 = tpu.memref_slice %arg3[%dma_wait3A_29, %dma_wait3A_30] : memref<4096x128xf32, #tpu.memory_space<hbm>> -> memref<4096x128xf32, #tpu.memory_space<hbm>>
      tpu.wait_indirect_dma semaphore(%arg11 : memref<!tpu.dma_semaphore, #tpu.memory_space<semaphore_mem>>) src(%dma_wait3A_31 : memref<4096x128xf32, #tpu.memory_space<hbm>>) dst(%arg9 : memref<128x128xf32, #tpu.memory_space<vmem>>)
      %dma_start3A_32 = arith.constant 0 : i32
      %dma_start3A_33 = tpu.memref_slice %arg5[%add3A_18, %dma_start3A_32] : memref<65536x128xf32, #tpu.memory_space<hbm>> -> memref<128x128xf32, #tpu.memory_space<hbm>>
      %dma_start3A_34 = arith.constant 0 : i32
      %dma_start3A_35 = tpu.memref_slice %arg5[%add3A_18, %dma_start3A_34] : memref<65536x128xf32, #tpu.memory_space<hbm>> -> memref<128x128xf32, #tpu.memory_space<hbm>>
      tpu.enqueue_dma source(%arg8 : memref<128x128xf32, #tpu.memory_space<vmem>>) target(%dma_start3A_35 : memref<128x128xf32, #tpu.memory_space<hbm>>) target_semaphore(%arg12 : memref<!tpu.dma_semaphore, #tpu.memory_space<semaphore_mem>>)
      %dma_start3A_36 = arith.constant 0 : i32
      %dma_start3A_37 = tpu.memref_slice %arg6[%add3A_18, %dma_start3A_36] : memref<65536x128xf32, #tpu.memory_space<hbm>> -> memref<128x128xf32, #tpu.memory_space<hbm>>
      %dma_start3A_38 = arith.constant 0 : i32
      %dma_start3A_39 = tpu.memref_slice %arg6[%add3A_18, %dma_start3A_38] : memref<65536x128xf32, #tpu.memory_space<hbm>> -> memref<128x128xf32, #tpu.memory_space<hbm>>
      tpu.enqueue_dma source(%arg9 : memref<128x128xf32, #tpu.memory_space<vmem>>) target(%dma_start3A_39 : memref<128x128xf32, #tpu.memory_space<hbm>>) target_semaphore(%arg13 : memref<!tpu.dma_semaphore, #tpu.memory_space<semaphore_mem>>)
    }
    %scan3A_7 = arith.constant 16 : i32
    %dma_wait3A = arith.constant 0 : i32
    %dma_wait3A_8 = tpu.memref_slice %arg5[%mul3A_2, %dma_wait3A] : memref<65536x128xf32, #tpu.memory_space<hbm>> -> memref<128x128xf32, #tpu.memory_space<hbm>>
    %dma_wait3A_9 = arith.constant 0 : i32
    %dma_wait3A_10 = tpu.memref_slice %arg5[%mul3A_2, %dma_wait3A_9] : memref<65536x128xf32, #tpu.memory_space<hbm>> -> memref<128x128xf32, #tpu.memory_space<hbm>>
    tpu.wait_dma2 semaphore(%arg12 : memref<!tpu.dma_semaphore, #tpu.memory_space<semaphore_mem>>) src(%arg8 : memref<128x128xf32, #tpu.memory_space<vmem>>) dst(%dma_wait3A_10 : memref<128x128xf32, #tpu.memory_space<hbm>>)
    %dma_wait3A_11 = arith.constant 0 : i32
    %dma_wait3A_12 = tpu.memref_slice %arg6[%mul3A_2, %dma_wait3A_11] : memref<65536x128xf32, #tpu.memory_space<hbm>> -> memref<128x128xf32, #tpu.memory_space<hbm>>
    %dma_wait3A_13 = arith.constant 0 : i32
    %dma_wait3A_14 = tpu.memref_slice %arg6[%mul3A_2, %dma_wait3A_13] : memref<65536x128xf32, #tpu.memory_space<hbm>> -> memref<128x128xf32, #tpu.memory_space<hbm>>
    tpu.wait_dma2 semaphore(%arg13 : memref<!tpu.dma_semaphore, #tpu.memory_space<semaphore_mem>>) src(%arg9 : memref<128x128xf32, #tpu.memory_space<vmem>>) dst(%dma_wait3A_14 : memref<128x128xf32, #tpu.memory_space<hbm>>)
    return
  }
}

#map = affine_map<(d0, d1) -> (0, 0)>
#map1 = affine_map<(d0, d1) -> (0)>
module attributes {stable_mosaic.version = 14 : i64} {
  func.func @gather_k(%arg0: i32, %arg1: i32, %arg2: memref<4096x128xf32, #tpu.memory_space<hbm>>, %arg3: memref<4096x128xf32, #tpu.memory_space<hbm>>, %arg4: memref<65536xi32, #tpu.memory_space<hbm>>, %arg5: memref<65536x128xf32, #tpu.memory_space<hbm>>, %arg6: memref<65536x128xf32, #tpu.memory_space<hbm>>, %arg7: memref<128xi32, #tpu.memory_space<vmem>>, %arg8: memref<128x128xf32, #tpu.memory_space<vmem>>, %arg9: memref<128x128xf32, #tpu.memory_space<vmem>>, %arg10: memref<!tpu.dma_semaphore, #tpu.memory_space<semaphore_mem>>, %arg11: memref<!tpu.dma_semaphore, #tpu.memory_space<semaphore_mem>>, %arg12: memref<!tpu.dma_semaphore, #tpu.memory_space<semaphore_mem>>, %arg13: memref<!tpu.dma_semaphore, #tpu.memory_space<semaphore_mem>>) attributes {dimension_semantics = [#tpu.dimension_semantics<core_parallel>, #tpu.dimension_semantics<subcore_parallel>], iteration_bounds = array<i64: 2, 16>, scalar_prefetch = 0 : i64, scratch_operands = 7 : i64, tpu.core_type = #tpu.core_type<sc_vector_subcore>, window_params = [{transform_indices = #map}, {transform_indices = #map}, {transform_indices = #map1}, {transform_indices = #map}, {transform_indices = #map}]} {
    %mul3A = arith.constant 2 : i32
    %mul3A_0 = arith.muli %arg1, %mul3A : i32
    %add3A = arith.addi %mul3A_0, %arg0 : i32
    %mul3A_1 = arith.constant 2048 : i32
    %mul3A_2 = arith.muli %add3A, %mul3A_1 : i32
    %scan3A = arith.constant 0 : i32
    %scan3A_3 = arith.constant 0 : i32
    %scan3A_4 = arith.constant 16 : i32
    %scan3A_5 = arith.addi %scan3A_3, %scan3A_4 : i32
    %scan3A_6 = arith.constant 1 : i32
    scf.for %scan3A_15 = %scan3A_3 to %scan3A_5 step %scan3A_6  : i32 {
      %mul3A_16 = arith.constant 128 : i32
      %mul3A_17 = arith.muli %scan3A_15, %mul3A_16 : i32
      %add3A_18 = arith.addi %mul3A_2, %mul3A_17 : i32
      "tpu.region"() ({
        %run_scoped3A = tpu.sem_alloc : memref<!tpu.dma_semaphore, #tpu.memory_space<semaphore_mem>>
        %dma_start3A_40 = tpu.memref_slice %arg4[%add3A_18] : memref<65536xi32, #tpu.memory_space<hbm>> -> memref<128xi32, #tpu.memory_space<hbm>>
        %dma_start3A_41 = tpu.memref_slice %arg4[%add3A_18] : memref<65536xi32, #tpu.memory_space<hbm>> -> memref<128xi32, #tpu.memory_space<hbm>>
        tpu.enqueue_dma source(%dma_start3A_41 : memref<128xi32, #tpu.memory_space<hbm>>) target(%arg7 : memref<128xi32, #tpu.memory_space<vmem>>) target_semaphore(%run_scoped3A : memref<!tpu.dma_semaphore, #tpu.memory_space<semaphore_mem>>)
        %dma_wait3A_42 = tpu.memref_slice %arg4[%add3A_18] : memref<65536xi32, #tpu.memory_space<hbm>> -> memref<128xi32, #tpu.memory_space<hbm>>
        %dma_wait3A_43 = tpu.memref_slice %arg4[%add3A_18] : memref<65536xi32, #tpu.memory_space<hbm>> -> memref<128xi32, #tpu.memory_space<hbm>>
        tpu.wait_dma2 semaphore(%run_scoped3A : memref<!tpu.dma_semaphore, #tpu.memory_space<semaphore_mem>>) src(%dma_wait3A_43 : memref<128xi32, #tpu.memory_space<hbm>>) dst(%arg7 : memref<128xi32, #tpu.memory_space<vmem>>)
        tpu.yield
      }) : () -> ()
      %gt3A = arith.constant 0 : i32
      %gt3A_19 = arith.cmpi sgt, %scan3A_15, %gt3A : i32
      %convert_element_type3A = arith.extui %gt3A_19 : i1 to i32
      %cond3A = arith.constant 0 : i32
      %cond3A_20 = arith.cmpi ne, %convert_element_type3A, %cond3A : i32
      scf.if %cond3A_20 {
        %dma_wait3A_40 = arith.constant 0 : i32
        %dma_wait3A_41 = tpu.memref_slice %arg5[%add3A_18, %dma_wait3A_40] : memref<65536x128xf32, #tpu.memory_space<hbm>> -> memref<128x128xf32, #tpu.memory_space<hbm>>
        %dma_wait3A_42 = arith.constant 0 : i32
        %dma_wait3A_43 = tpu.memref_slice %arg5[%add3A_18, %dma_wait3A_42] : memref<65536x128xf32, #tpu.memory_space<hbm>> -> memref<128x128xf32, #tpu.memory_space<hbm>>
        tpu.wait_dma2 semaphore(%arg12 : memref<!tpu.dma_semaphore, #tpu.memory_space<semaphore_mem>>) src(%arg8 : memref<128x128xf32, #tpu.memory_space<vmem>>) dst(%dma_wait3A_43 : memref<128x128xf32, #tpu.memory_space<hbm>>)
        %dma_wait3A_44 = arith.constant 0 : i32
        %dma_wait3A_45 = tpu.memref_slice %arg6[%add3A_18, %dma_wait3A_44] : memref<65536x128xf32, #tpu.memory_space<hbm>> -> memref<128x128xf32, #tpu.memory_space<hbm>>
        %dma_wait3A_46 = arith.constant 0 : i32
        %dma_wait3A_47 = tpu.memref_slice %arg6[%add3A_18, %dma_wait3A_46] : memref<65536x128xf32, #tpu.memory_space<hbm>> -> memref<128x128xf32, #tpu.memory_space<hbm>>
        tpu.wait_dma2 semaphore(%arg13 : memref<!tpu.dma_semaphore, #tpu.memory_space<semaphore_mem>>) src(%arg9 : memref<128x128xf32, #tpu.memory_space<vmem>>) dst(%dma_wait3A_47 : memref<128x128xf32, #tpu.memory_space<hbm>>)
      } else {
      }
      %dma_start3A = arith.constant 0 : i32
      %dma_start3A_21 = arith.constant 0 : i32
      %dma_start3A_22 = tpu.memref_slice %arg2[%dma_start3A, %dma_start3A_21] : memref<4096x128xf32, #tpu.memory_space<hbm>> -> memref<4096x128xf32, #tpu.memory_space<hbm>>
      tpu.enqueue_indirect_dma source(%dma_start3A_22 : memref<4096x128xf32, #tpu.memory_space<hbm>>) target(%arg8 : memref<128x128xf32, #tpu.memory_space<vmem>>) offsets(%arg7 : memref<128xi32, #tpu.memory_space<vmem>>) semaphore(%arg10 : memref<!tpu.dma_semaphore, #tpu.memory_space<semaphore_mem>>)
      %dma_start3A_23 = arith.constant 0 : i32
      %dma_start3A_24 = arith.constant 0 : i32
      %dma_start3A_25 = tpu.memref_slice %arg3[%dma_start3A_23, %dma_start3A_24] : memref<4096x128xf32, #tpu.memory_space<hbm>> -> memref<4096x128xf32, #tpu.memory_space<hbm>>
      tpu.enqueue_indirect_dma source(%dma_start3A_25 : memref<4096x128xf32, #tpu.memory_space<hbm>>) target(%arg9 : memref<128x128xf32, #tpu.memory_space<vmem>>) offsets(%arg7 : memref<128xi32, #tpu.memory_space<vmem>>) semaphore(%arg11 : memref<!tpu.dma_semaphore, #tpu.memory_space<semaphore_mem>>)
      %dma_wait3A_26 = arith.constant 0 : i32
      %dma_wait3A_27 = arith.constant 0 : i32
      %dma_wait3A_28 = tpu.memref_slice %arg2[%dma_wait3A_26, %dma_wait3A_27] : memref<4096x128xf32, #tpu.memory_space<hbm>> -> memref<4096x128xf32, #tpu.memory_space<hbm>>
      tpu.wait_indirect_dma semaphore(%arg10 : memref<!tpu.dma_semaphore, #tpu.memory_space<semaphore_mem>>) src(%dma_wait3A_28 : memref<4096x128xf32, #tpu.memory_space<hbm>>) dst(%arg8 : memref<128x128xf32, #tpu.memory_space<vmem>>)
      %dma_wait3A_29 = arith.constant 0 : i32
      %dma_wait3A_30 = arith.constant 0 : i32
      %dma_wait3A_31 = tpu.memref_slice %arg3[%dma_wait3A_29, %dma_wait3A_30] : memref<4096x128xf32, #tpu.memory_space<hbm>> -> memref<4096x128xf32, #tpu.memory_space<hbm>>
      tpu.wait_indirect_dma semaphore(%arg11 : memref<!tpu.dma_semaphore, #tpu.memory_space<semaphore_mem>>) src(%dma_wait3A_31 : memref<4096x128xf32, #tpu.memory_space<hbm>>) dst(%arg9 : memref<128x128xf32, #tpu.memory_space<vmem>>)
      %dma_start3A_32 = arith.constant 0 : i32
      %dma_start3A_33 = tpu.memref_slice %arg5[%add3A_18, %dma_start3A_32] : memref<65536x128xf32, #tpu.memory_space<hbm>> -> memref<128x128xf32, #tpu.memory_space<hbm>>
      %dma_start3A_34 = arith.constant 0 : i32
      %dma_start3A_35 = tpu.memref_slice %arg5[%add3A_18, %dma_start3A_34] : memref<65536x128xf32, #tpu.memory_space<hbm>> -> memref<128x128xf32, #tpu.memory_space<hbm>>
      tpu.enqueue_dma source(%arg8 : memref<128x128xf32, #tpu.memory_space<vmem>>) target(%dma_start3A_35 : memref<128x128xf32, #tpu.memory_space<hbm>>) target_semaphore(%arg12 : memref<!tpu.dma_semaphore, #tpu.memory_space<semaphore_mem>>)
      %dma_start3A_36 = arith.constant 0 : i32
      %dma_start3A_37 = tpu.memref_slice %arg6[%add3A_18, %dma_start3A_36] : memref<65536x128xf32, #tpu.memory_space<hbm>> -> memref<128x128xf32, #tpu.memory_space<hbm>>
      %dma_start3A_38 = arith.constant 0 : i32
      %dma_start3A_39 = tpu.memref_slice %arg6[%add3A_18, %dma_start3A_38] : memref<65536x128xf32, #tpu.memory_space<hbm>> -> memref<128x128xf32, #tpu.memory_space<hbm>>
      tpu.enqueue_dma source(%arg9 : memref<128x128xf32, #tpu.memory_space<vmem>>) target(%dma_start3A_39 : memref<128x128xf32, #tpu.memory_space<hbm>>) target_semaphore(%arg13 : memref<!tpu.dma_semaphore, #tpu.memory_space<semaphore_mem>>)
    }
    %scan3A_7 = arith.constant 16 : i32
    %dma_wait3A = arith.constant 0 : i32
    %dma_wait3A_8 = tpu.memref_slice %arg5[%mul3A_2, %dma_wait3A] : memref<65536x128xf32, #tpu.memory_space<hbm>> -> memref<128x128xf32, #tpu.memory_space<hbm>>
    %dma_wait3A_9 = arith.constant 0 : i32
    %dma_wait3A_10 = tpu.memref_slice %arg5[%mul3A_2, %dma_wait3A_9] : memref<65536x128xf32, #tpu.memory_space<hbm>> -> memref<128x128xf32, #tpu.memory_space<hbm>>
    tpu.wait_dma2 semaphore(%arg12 : memref<!tpu.dma_semaphore, #tpu.memory_space<semaphore_mem>>) src(%arg8 : memref<128x128xf32, #tpu.memory_space<vmem>>) dst(%dma_wait3A_10 : memref<128x128xf32, #tpu.memory_space<hbm>>)
    %dma_wait3A_11 = arith.constant 0 : i32
    %dma_wait3A_12 = tpu.memref_slice %arg6[%mul3A_2, %dma_wait3A_11] : memref<65536x128xf32, #tpu.memory_space<hbm>> -> memref<128x128xf32, #tpu.memory_space<hbm>>
    %dma_wait3A_13 = arith.constant 0 : i32
    %dma_wait3A_14 = tpu.memref_slice %arg6[%mul3A_2, %dma_wait3A_13] : memref<65536x128xf32, #tpu.memory_space<hbm>> -> memref<128x128xf32, #tpu.memory_space<hbm>>
    tpu.wait_dma2 semaphore(%arg13 : memref<!tpu.dma_semaphore, #tpu.memory_space<semaphore_mem>>) src(%arg9 : memref<128x128xf32, #tpu.memory_space<vmem>>) dst(%dma_wait3A_14 : memref<128x128xf32, #tpu.memory_space<hbm>>)
    return
  }
}

module attributes {stable_mosaic.version = 14 : i64} {
  func.func @_knn_body(%arg0: i32, %arg1: i32, %arg2: memref<1x128x3xf32, #tpu.memory_space<vmem>>, %arg3: memref<1x3x2048xf32, #tpu.memory_space<vmem>>, %arg4: memref<3x128xf32, #tpu.memory_space<vmem>>, %arg5: memref<1x128x16xi32, #tpu.memory_space<vmem>>, %arg6: memref<1x128x128xf32, #tpu.memory_space<vmem>>) attributes {dimension_semantics = [#tpu.dimension_semantics<arbitrary>, #tpu.dimension_semantics<arbitrary>], iteration_bounds = array<i64: 2, 16>, scalar_prefetch = 0 : i64, scratch_operands = 0 : i64, tpu.core_type = #tpu.core_type<tc>, window_params = [{transform_indices = @transform_0, window_bounds = array<i64: 1, 128, 3>}, {transform_indices = @transform_1, window_bounds = array<i64: 1, 3, 2048>}, {pipeline_mode = #tpu.pipeline_mode<synchronous>, transform_indices = @transform_2, window_bounds = array<i64: 3, 128>}, {transform_indices = @transform_3, window_bounds = array<i64: 1, 128, 16>}, {transform_indices = @transform_4, window_bounds = array<i64: 1, 128, 128>}]} {
    %get3A = arith.constant 0 : index
    %get3A_0 = arith.constant 0 : index
    %get3A_1 = arith.constant 0 : index
    %get3A_2 = vector.load %arg2[%get3A, %get3A_0, %get3A_1] : memref<1x128x3xf32, #tpu.memory_space<vmem>>, vector<1x128x3xf32>
    %get3A_3 = vector.shape_cast %get3A_2 : vector<1x128x3xf32> to vector<128x3xf32>
    %get3A_4 = arith.constant 0 : index
    %get3A_5 = arith.constant 0 : index
    %get3A_6 = arith.constant 0 : index
    %get3A_7 = vector.load %arg3[%get3A_4, %get3A_5, %get3A_6] : memref<1x3x2048xf32, #tpu.memory_space<vmem>>, vector<1x3x2048xf32>
    %get3A_8 = vector.shape_cast %get3A_7 : vector<1x3x2048xf32> to vector<3x2048xf32>
    %slice3A = vector.extract_strided_slice %get3A_8 {offsets = [0, 0], sizes = [1, 2048], strides = [1, 1]} : vector<3x2048xf32> to vector<1x2048xf32>
    %slice3A_9 = vector.extract_strided_slice %get3A_8 {offsets = [0, 0], sizes = [1, 2048], strides = [1, 1]} : vector<3x2048xf32> to vector<1x2048xf32>
    %mul3A = arith.mulf %slice3A, %slice3A_9 : vector<1x2048xf32>
    %slice3A_10 = vector.extract_strided_slice %get3A_8 {offsets = [1, 0], sizes = [1, 2048], strides = [1, 1]} : vector<3x2048xf32> to vector<1x2048xf32>
    %slice3A_11 = vector.extract_strided_slice %get3A_8 {offsets = [1, 0], sizes = [1, 2048], strides = [1, 1]} : vector<3x2048xf32> to vector<1x2048xf32>
    %mul3A_12 = arith.mulf %slice3A_10, %slice3A_11 : vector<1x2048xf32>
    %add3A = arith.addf %mul3A, %mul3A_12 : vector<1x2048xf32>
    %slice3A_13 = vector.extract_strided_slice %get3A_8 {offsets = [2, 0], sizes = [1, 2048], strides = [1, 1]} : vector<3x2048xf32> to vector<1x2048xf32>
    %slice3A_14 = vector.extract_strided_slice %get3A_8 {offsets = [2, 0], sizes = [1, 2048], strides = [1, 1]} : vector<3x2048xf32> to vector<1x2048xf32>
    %mul3A_15 = arith.mulf %slice3A_13, %slice3A_14 : vector<1x2048xf32>
    %add3A_16 = arith.addf %add3A, %mul3A_15 : vector<1x2048xf32>
    %mul3A_17 = arith.mulf %get3A_3, %get3A_3 : vector<128x3xf32>
    %reduce_sum3A = arith.constant dense<0.000000e+00> : vector<128xf32>
    %reduce_sum3A_18 = vector.multi_reduction <add>, %mul3A_17, %reduce_sum3A [1] : vector<128x3xf32> to vector<128xf32>
    %broadcast_in_dim3A = vector.shape_cast %reduce_sum3A_18 : vector<128xf32> to vector<128x1xf32>
    %convert_element_type3A = arith.truncf %get3A_3 : vector<128x3xf32> to vector<128x3xbf16>
    %convert_element_type3A_19 = arith.truncf %get3A_8 : vector<3x2048xf32> to vector<3x2048xbf16>
    %dot_general3A = arith.constant dense<0.000000e+00> : vector<128x2048xf32>
    %dot_general3A_20 = tpu.matmul %convert_element_type3A, %convert_element_type3A_19, %dot_general3A {dimension_numbers = #tpu.dot_dimension_numbers<[1], [0], [0], [1], [0, 0, 1, 1], [], []>, transpose_lhs_hint = false} : vector<128x3xbf16>, vector<3x2048xbf16>, vector<128x2048xf32> -> vector<128x2048xf32>
    %mul3A_21 = arith.constant -2.000000e+00 : f32
    %mul3A_22 = vector.broadcast %mul3A_21 : f32 to vector<128x2048xf32>
    %mul3A_23 = arith.mulf %mul3A_22, %dot_general3A_20 : vector<128x2048xf32>
    %add3A_24 = vector.broadcast %broadcast_in_dim3A : vector<128x1xf32> to vector<128x2048xf32>
    %add3A_25 = arith.addf %mul3A_23, %add3A_24 : vector<128x2048xf32>
    %add3A_26 = vector.broadcast %add3A_16 : vector<1x2048xf32> to vector<128x2048xf32>
    %add3A_27 = arith.addf %add3A_25, %add3A_26 : vector<128x2048xf32>
    %iota3A = tpu.iota {dimensions = array<i32: 1>} : vector<128x16xi32>
    %iota3A_28 = tpu.iota {dimensions = array<i32: 1>} : vector<128x2048xi32>
    %convert_element_type3A_29 = arith.sitofp %iota3A_28 : vector<128x2048xi32> to vector<128x2048xf32>
    %broadcast_in_dim3A_30 = arith.constant 0 : i32
    %broadcast_in_dim3A_31 = vector.broadcast %broadcast_in_dim3A_30 : i32 to vector<128x16xi32>
    %reduce_min3A = arith.constant dense<0x7F800000> : vector<128xf32>
    %reduce_min3A_32 = vector.multi_reduction <minimumf>, %add3A_27, %reduce_min3A [1] : vector<128x2048xf32> to vector<128xf32>
    %broadcast_in_dim3A_33 = vector.shape_cast %reduce_min3A_32 : vector<128xf32> to vector<128x1xf32>
    %eq3A = vector.broadcast %broadcast_in_dim3A_33 : vector<128x1xf32> to vector<128x2048xf32>
    %eq3A_34 = arith.cmpf oeq, %add3A_27, %eq3A : vector<128x2048xf32>
    %jit3A = arith.constant 0x7F800000 : f32
    %broadcast_in_dim3A_35 = vector.broadcast %jit3A : f32 to vector<128x2048xf32>
    %select_n3A = arith.select %eq3A_34, %convert_element_type3A_29, %broadcast_in_dim3A_35 : vector<128x2048xi1>, vector<128x2048xf32>
    %reduce_min3A_36 = arith.constant dense<0x7F800000> : vector<128xf32>
    %reduce_min3A_37 = vector.multi_reduction <minimumf>, %select_n3A, %reduce_min3A_36 [1] : vector<128x2048xf32> to vector<128xf32>
    %broadcast_in_dim3A_38 = vector.shape_cast %reduce_min3A_37 : vector<128xf32> to vector<128x1xf32>
    %eq3A_39 = arith.constant 0 : i32
    %eq3A_40 = vector.broadcast %eq3A_39 : i32 to vector<128x16xi32>
    %eq3A_41 = arith.cmpi eq, %iota3A, %eq3A_40 : vector<128x16xi32>
    %convert_element_type3A_42 = arith.fptosi %broadcast_in_dim3A_38 : vector<128x1xf32> to vector<128x1xi32>
    %broadcast_in_dim3A_43 = vector.shape_cast %convert_element_type3A_42 : vector<128x1xi32> to vector<128x1xi32>
    %broadcast_in_dim3A_44 = vector.broadcast %broadcast_in_dim3A_43 : vector<128x1xi32> to vector<128x16xi32>
    %select_n3A_45 = arith.select %eq3A_41, %broadcast_in_dim3A_44, %broadcast_in_dim3A_31 : vector<128x16xi1>, vector<128x16xi32>
    %jit3A_46 = arith.constant 0x7F800000 : f32
    %broadcast_in_dim3A_47 = vector.broadcast %jit3A_46 : f32 to vector<128x2048xf32>
    %select_n3A_48 = arith.select %eq3A_34, %broadcast_in_dim3A_47, %add3A_27 : vector<128x2048xi1>, vector<128x2048xf32>
    %reduce_min3A_49 = arith.constant dense<0x7F800000> : vector<128xf32>
    %reduce_min3A_50 = vector.multi_reduction <minimumf>, %select_n3A_48, %reduce_min3A_49 [1] : vector<128x2048xf32> to vector<128xf32>
    %broadcast_in_dim3A_51 = vector.shape_cast %reduce_min3A_50 : vector<128xf32> to vector<128x1xf32>
    %eq3A_52 = vector.broadcast %broadcast_in_dim3A_51 : vector<128x1xf32> to vector<128x2048xf32>
    %eq3A_53 = arith.cmpf oeq, %select_n3A_48, %eq3A_52 : vector<128x2048xf32>
    %jit3A_54 = arith.constant 0x7F800000 : f32
    %broadcast_in_dim3A_55 = vector.broadcast %jit3A_54 : f32 to vector<128x2048xf32>
    %select_n3A_56 = arith.select %eq3A_53, %convert_element_type3A_29, %broadcast_in_dim3A_55 : vector<128x2048xi1>, vector<128x2048xf32>
    %reduce_min3A_57 = arith.constant dense<0x7F800000> : vector<128xf32>
    %reduce_min3A_58 = vector.multi_reduction <minimumf>, %select_n3A_56, %reduce_min3A_57 [1] : vector<128x2048xf32> to vector<128xf32>
    %broadcast_in_dim3A_59 = vector.shape_cast %reduce_min3A_58 : vector<128xf32> to vector<128x1xf32>
    %eq3A_60 = arith.constant 1 : i32
    %eq3A_61 = vector.broadcast %eq3A_60 : i32 to vector<128x16xi32>
    %eq3A_62 = arith.cmpi eq, %iota3A, %eq3A_61 : vector<128x16xi32>
    %convert_element_type3A_63 = arith.fptosi %broadcast_in_dim3A_59 : vector<128x1xf32> to vector<128x1xi32>
    %broadcast_in_dim3A_64 = vector.shape_cast %convert_element_type3A_63 : vector<128x1xi32> to vector<128x1xi32>
    %broadcast_in_dim3A_65 = vector.broadcast %broadcast_in_dim3A_64 : vector<128x1xi32> to vector<128x16xi32>
    %select_n3A_66 = arith.select %eq3A_62, %broadcast_in_dim3A_65, %select_n3A_45 : vector<128x16xi1>, vector<128x16xi32>
    %jit3A_67 = arith.constant 0x7F800000 : f32
    %broadcast_in_dim3A_68 = vector.broadcast %jit3A_67 : f32 to vector<128x2048xf32>
    %select_n3A_69 = arith.select %eq3A_53, %broadcast_in_dim3A_68, %select_n3A_48 : vector<128x2048xi1>, vector<128x2048xf32>
    %reduce_min3A_70 = arith.constant dense<0x7F800000> : vector<128xf32>
    %reduce_min3A_71 = vector.multi_reduction <minimumf>, %select_n3A_69, %reduce_min3A_70 [1] : vector<128x2048xf32> to vector<128xf32>
    %broadcast_in_dim3A_72 = vector.shape_cast %reduce_min3A_71 : vector<128xf32> to vector<128x1xf32>
    %eq3A_73 = vector.broadcast %broadcast_in_dim3A_72 : vector<128x1xf32> to vector<128x2048xf32>
    %eq3A_74 = arith.cmpf oeq, %select_n3A_69, %eq3A_73 : vector<128x2048xf32>
    %jit3A_75 = arith.constant 0x7F800000 : f32
    %broadcast_in_dim3A_76 = vector.broadcast %jit3A_75 : f32 to vector<128x2048xf32>
    %select_n3A_77 = arith.select %eq3A_74, %convert_element_type3A_29, %broadcast_in_dim3A_76 : vector<128x2048xi1>, vector<128x2048xf32>
    %reduce_min3A_78 = arith.constant dense<0x7F800000> : vector<128xf32>
    %reduce_min3A_79 = vector.multi_reduction <minimumf>, %select_n3A_77, %reduce_min3A_78 [1] : vector<128x2048xf32> to vector<128xf32>
    %broadcast_in_dim3A_80 = vector.shape_cast %reduce_min3A_79 : vector<128xf32> to vector<128x1xf32>
    %eq3A_81 = arith.constant 2 : i32
    %eq3A_82 = vector.broadcast %eq3A_81 : i32 to vector<128x16xi32>
    %eq3A_83 = arith.cmpi eq, %iota3A, %eq3A_82 : vector<128x16xi32>
    %convert_element_type3A_84 = arith.fptosi %broadcast_in_dim3A_80 : vector<128x1xf32> to vector<128x1xi32>
    %broadcast_in_dim3A_85 = vector.shape_cast %convert_element_type3A_84 : vector<128x1xi32> to vector<128x1xi32>
    %broadcast_in_dim3A_86 = vector.broadcast %broadcast_in_dim3A_85 : vector<128x1xi32> to vector<128x16xi32>
    %select_n3A_87 = arith.select %eq3A_83, %broadcast_in_dim3A_86, %select_n3A_66 : vector<128x16xi1>, vector<128x16xi32>
    %jit3A_88 = arith.constant 0x7F800000 : f32
    %broadcast_in_dim3A_89 = vector.broadcast %jit3A_88 : f32 to vector<128x2048xf32>
    %select_n3A_90 = arith.select %eq3A_74, %broadcast_in_dim3A_89, %select_n3A_69 : vector<128x2048xi1>, vector<128x2048xf32>
    %reduce_min3A_91 = arith.constant dense<0x7F800000> : vector<128xf32>
    %reduce_min3A_92 = vector.multi_reduction <minimumf>, %select_n3A_90, %reduce_min3A_91 [1] : vector<128x2048xf32> to vector<128xf32>
    %broadcast_in_dim3A_93 = vector.shape_cast %reduce_min3A_92 : vector<128xf32> to vector<128x1xf32>
    %eq3A_94 = vector.broadcast %broadcast_in_dim3A_93 : vector<128x1xf32> to vector<128x2048xf32>
    %eq3A_95 = arith.cmpf oeq, %select_n3A_90, %eq3A_94 : vector<128x2048xf32>
    %jit3A_96 = arith.constant 0x7F800000 : f32
    %broadcast_in_dim3A_97 = vector.broadcast %jit3A_96 : f32 to vector<128x2048xf32>
    %select_n3A_98 = arith.select %eq3A_95, %convert_element_type3A_29, %broadcast_in_dim3A_97 : vector<128x2048xi1>, vector<128x2048xf32>
    %reduce_min3A_99 = arith.constant dense<0x7F800000> : vector<128xf32>
    %reduce_min3A_100 = vector.multi_reduction <minimumf>, %select_n3A_98, %reduce_min3A_99 [1] : vector<128x2048xf32> to vector<128xf32>
    %broadcast_in_dim3A_101 = vector.shape_cast %reduce_min3A_100 : vector<128xf32> to vector<128x1xf32>
    %eq3A_102 = arith.constant 3 : i32
    %eq3A_103 = vector.broadcast %eq3A_102 : i32 to vector<128x16xi32>
    %eq3A_104 = arith.cmpi eq, %iota3A, %eq3A_103 : vector<128x16xi32>
    %convert_element_type3A_105 = arith.fptosi %broadcast_in_dim3A_101 : vector<128x1xf32> to vector<128x1xi32>
    %broadcast_in_dim3A_106 = vector.shape_cast %convert_element_type3A_105 : vector<128x1xi32> to vector<128x1xi32>
    %broadcast_in_dim3A_107 = vector.broadcast %broadcast_in_dim3A_106 : vector<128x1xi32> to vector<128x16xi32>
    %select_n3A_108 = arith.select %eq3A_104, %broadcast_in_dim3A_107, %select_n3A_87 : vector<128x16xi1>, vector<128x16xi32>
    %jit3A_109 = arith.constant 0x7F800000 : f32
    %broadcast_in_dim3A_110 = vector.broadcast %jit3A_109 : f32 to vector<128x2048xf32>
    %select_n3A_111 = arith.select %eq3A_95, %broadcast_in_dim3A_110, %select_n3A_90 : vector<128x2048xi1>, vector<128x2048xf32>
    %reduce_min3A_112 = arith.constant dense<0x7F800000> : vector<128xf32>
    %reduce_min3A_113 = vector.multi_reduction <minimumf>, %select_n3A_111, %reduce_min3A_112 [1] : vector<128x2048xf32> to vector<128xf32>
    %broadcast_in_dim3A_114 = vector.shape_cast %reduce_min3A_113 : vector<128xf32> to vector<128x1xf32>
    %eq3A_115 = vector.broadcast %broadcast_in_dim3A_114 : vector<128x1xf32> to vector<128x2048xf32>
    %eq3A_116 = arith.cmpf oeq, %select_n3A_111, %eq3A_115 : vector<128x2048xf32>
    %jit3A_117 = arith.constant 0x7F800000 : f32
    %broadcast_in_dim3A_118 = vector.broadcast %jit3A_117 : f32 to vector<128x2048xf32>
    %select_n3A_119 = arith.select %eq3A_116, %convert_element_type3A_29, %broadcast_in_dim3A_118 : vector<128x2048xi1>, vector<128x2048xf32>
    %reduce_min3A_120 = arith.constant dense<0x7F800000> : vector<128xf32>
    %reduce_min3A_121 = vector.multi_reduction <minimumf>, %select_n3A_119, %reduce_min3A_120 [1] : vector<128x2048xf32> to vector<128xf32>
    %broadcast_in_dim3A_122 = vector.shape_cast %reduce_min3A_121 : vector<128xf32> to vector<128x1xf32>
    %eq3A_123 = arith.constant 4 : i32
    %eq3A_124 = vector.broadcast %eq3A_123 : i32 to vector<128x16xi32>
    %eq3A_125 = arith.cmpi eq, %iota3A, %eq3A_124 : vector<128x16xi32>
    %convert_element_type3A_126 = arith.fptosi %broadcast_in_dim3A_122 : vector<128x1xf32> to vector<128x1xi32>
    %broadcast_in_dim3A_127 = vector.shape_cast %convert_element_type3A_126 : vector<128x1xi32> to vector<128x1xi32>
    %broadcast_in_dim3A_128 = vector.broadcast %broadcast_in_dim3A_127 : vector<128x1xi32> to vector<128x16xi32>
    %select_n3A_129 = arith.select %eq3A_125, %broadcast_in_dim3A_128, %select_n3A_108 : vector<128x16xi1>, vector<128x16xi32>
    %jit3A_130 = arith.constant 0x7F800000 : f32
    %broadcast_in_dim3A_131 = vector.broadcast %jit3A_130 : f32 to vector<128x2048xf32>
    %select_n3A_132 = arith.select %eq3A_116, %broadcast_in_dim3A_131, %select_n3A_111 : vector<128x2048xi1>, vector<128x2048xf32>
    %reduce_min3A_133 = arith.constant dense<0x7F800000> : vector<128xf32>
    %reduce_min3A_134 = vector.multi_reduction <minimumf>, %select_n3A_132, %reduce_min3A_133 [1] : vector<128x2048xf32> to vector<128xf32>
    %broadcast_in_dim3A_135 = vector.shape_cast %reduce_min3A_134 : vector<128xf32> to vector<128x1xf32>
    %eq3A_136 = vector.broadcast %broadcast_in_dim3A_135 : vector<128x1xf32> to vector<128x2048xf32>
    %eq3A_137 = arith.cmpf oeq, %select_n3A_132, %eq3A_136 : vector<128x2048xf32>
    %jit3A_138 = arith.constant 0x7F800000 : f32
    %broadcast_in_dim3A_139 = vector.broadcast %jit3A_138 : f32 to vector<128x2048xf32>
    %select_n3A_140 = arith.select %eq3A_137, %convert_element_type3A_29, %broadcast_in_dim3A_139 : vector<128x2048xi1>, vector<128x2048xf32>
    %reduce_min3A_141 = arith.constant dense<0x7F800000> : vector<128xf32>
    %reduce_min3A_142 = vector.multi_reduction <minimumf>, %select_n3A_140, %reduce_min3A_141 [1] : vector<128x2048xf32> to vector<128xf32>
    %broadcast_in_dim3A_143 = vector.shape_cast %reduce_min3A_142 : vector<128xf32> to vector<128x1xf32>
    %eq3A_144 = arith.constant 5 : i32
    %eq3A_145 = vector.broadcast %eq3A_144 : i32 to vector<128x16xi32>
    %eq3A_146 = arith.cmpi eq, %iota3A, %eq3A_145 : vector<128x16xi32>
    %convert_element_type3A_147 = arith.fptosi %broadcast_in_dim3A_143 : vector<128x1xf32> to vector<128x1xi32>
    %broadcast_in_dim3A_148 = vector.shape_cast %convert_element_type3A_147 : vector<128x1xi32> to vector<128x1xi32>
    %broadcast_in_dim3A_149 = vector.broadcast %broadcast_in_dim3A_148 : vector<128x1xi32> to vector<128x16xi32>
    %select_n3A_150 = arith.select %eq3A_146, %broadcast_in_dim3A_149, %select_n3A_129 : vector<128x16xi1>, vector<128x16xi32>
    %jit3A_151 = arith.constant 0x7F800000 : f32
    %broadcast_in_dim3A_152 = vector.broadcast %jit3A_151 : f32 to vector<128x2048xf32>
    %select_n3A_153 = arith.select %eq3A_137, %broadcast_in_dim3A_152, %select_n3A_132 : vector<128x2048xi1>, vector<128x2048xf32>
    %reduce_min3A_154 = arith.constant dense<0x7F800000> : vector<128xf32>
    %reduce_min3A_155 = vector.multi_reduction <minimumf>, %select_n3A_153, %reduce_min3A_154 [1] : vector<128x2048xf32> to vector<128xf32>
    %broadcast_in_dim3A_156 = vector.shape_cast %reduce_min3A_155 : vector<128xf32> to vector<128x1xf32>
    %eq3A_157 = vector.broadcast %broadcast_in_dim3A_156 : vector<128x1xf32> to vector<128x2048xf32>
    %eq3A_158 = arith.cmpf oeq, %select_n3A_153, %eq3A_157 : vector<128x2048xf32>
    %jit3A_159 = arith.constant 0x7F800000 : f32
    %broadcast_in_dim3A_160 = vector.broadcast %jit3A_159 : f32 to vector<128x2048xf32>
    %select_n3A_161 = arith.select %eq3A_158, %convert_element_type3A_29, %broadcast_in_dim3A_160 : vector<128x2048xi1>, vector<128x2048xf32>
    %reduce_min3A_162 = arith.constant dense<0x7F800000> : vector<128xf32>
    %reduce_min3A_163 = vector.multi_reduction <minimumf>, %select_n3A_161, %reduce_min3A_162 [1] : vector<128x2048xf32> to vector<128xf32>
    %broadcast_in_dim3A_164 = vector.shape_cast %reduce_min3A_163 : vector<128xf32> to vector<128x1xf32>
    %eq3A_165 = arith.constant 6 : i32
    %eq3A_166 = vector.broadcast %eq3A_165 : i32 to vector<128x16xi32>
    %eq3A_167 = arith.cmpi eq, %iota3A, %eq3A_166 : vector<128x16xi32>
    %convert_element_type3A_168 = arith.fptosi %broadcast_in_dim3A_164 : vector<128x1xf32> to vector<128x1xi32>
    %broadcast_in_dim3A_169 = vector.shape_cast %convert_element_type3A_168 : vector<128x1xi32> to vector<128x1xi32>
    %broadcast_in_dim3A_170 = vector.broadcast %broadcast_in_dim3A_169 : vector<128x1xi32> to vector<128x16xi32>
    %select_n3A_171 = arith.select %eq3A_167, %broadcast_in_dim3A_170, %select_n3A_150 : vector<128x16xi1>, vector<128x16xi32>
    %jit3A_172 = arith.constant 0x7F800000 : f32
    %broadcast_in_dim3A_173 = vector.broadcast %jit3A_172 : f32 to vector<128x2048xf32>
    %select_n3A_174 = arith.select %eq3A_158, %broadcast_in_dim3A_173, %select_n3A_153 : vector<128x2048xi1>, vector<128x2048xf32>
    %reduce_min3A_175 = arith.constant dense<0x7F800000> : vector<128xf32>
    %reduce_min3A_176 = vector.multi_reduction <minimumf>, %select_n3A_174, %reduce_min3A_175 [1] : vector<128x2048xf32> to vector<128xf32>
    %broadcast_in_dim3A_177 = vector.shape_cast %reduce_min3A_176 : vector<128xf32> to vector<128x1xf32>
    %eq3A_178 = vector.broadcast %broadcast_in_dim3A_177 : vector<128x1xf32> to vector<128x2048xf32>
    %eq3A_179 = arith.cmpf oeq, %select_n3A_174, %eq3A_178 : vector<128x2048xf32>
    %jit3A_180 = arith.constant 0x7F800000 : f32
    %broadcast_in_dim3A_181 = vector.broadcast %jit3A_180 : f32 to vector<128x2048xf32>
    %select_n3A_182 = arith.select %eq3A_179, %convert_element_type3A_29, %broadcast_in_dim3A_181 : vector<128x2048xi1>, vector<128x2048xf32>
    %reduce_min3A_183 = arith.constant dense<0x7F800000> : vector<128xf32>
    %reduce_min3A_184 = vector.multi_reduction <minimumf>, %select_n3A_182, %reduce_min3A_183 [1] : vector<128x2048xf32> to vector<128xf32>
    %broadcast_in_dim3A_185 = vector.shape_cast %reduce_min3A_184 : vector<128xf32> to vector<128x1xf32>
    %eq3A_186 = arith.constant 7 : i32
    %eq3A_187 = vector.broadcast %eq3A_186 : i32 to vector<128x16xi32>
    %eq3A_188 = arith.cmpi eq, %iota3A, %eq3A_187 : vector<128x16xi32>
    %convert_element_type3A_189 = arith.fptosi %broadcast_in_dim3A_185 : vector<128x1xf32> to vector<128x1xi32>
    %broadcast_in_dim3A_190 = vector.shape_cast %convert_element_type3A_189 : vector<128x1xi32> to vector<128x1xi32>
    %broadcast_in_dim3A_191 = vector.broadcast %broadcast_in_dim3A_190 : vector<128x1xi32> to vector<128x16xi32>
    %select_n3A_192 = arith.select %eq3A_188, %broadcast_in_dim3A_191, %select_n3A_171 : vector<128x16xi1>, vector<128x16xi32>
    %jit3A_193 = arith.constant 0x7F800000 : f32
    %broadcast_in_dim3A_194 = vector.broadcast %jit3A_193 : f32 to vector<128x2048xf32>
    %select_n3A_195 = arith.select %eq3A_179, %broadcast_in_dim3A_194, %select_n3A_174 : vector<128x2048xi1>, vector<128x2048xf32>
    %reduce_min3A_196 = arith.constant dense<0x7F800000> : vector<128xf32>
    %reduce_min3A_197 = vector.multi_reduction <minimumf>, %select_n3A_195, %reduce_min3A_196 [1] : vector<128x2048xf32> to vector<128xf32>
    %broadcast_in_dim3A_198 = vector.shape_cast %reduce_min3A_197 : vector<128xf32> to vector<128x1xf32>
    %eq3A_199 = vector.broadcast %broadcast_in_dim3A_198 : vector<128x1xf32> to vector<128x2048xf32>
    %eq3A_200 = arith.cmpf oeq, %select_n3A_195, %eq3A_199 : vector<128x2048xf32>
    %jit3A_201 = arith.constant 0x7F800000 : f32
    %broadcast_in_dim3A_202 = vector.broadcast %jit3A_201 : f32 to vector<128x2048xf32>
    %select_n3A_203 = arith.select %eq3A_200, %convert_element_type3A_29, %broadcast_in_dim3A_202 : vector<128x2048xi1>, vector<128x2048xf32>
    %reduce_min3A_204 = arith.constant dense<0x7F800000> : vector<128xf32>
    %reduce_min3A_205 = vector.multi_reduction <minimumf>, %select_n3A_203, %reduce_min3A_204 [1] : vector<128x2048xf32> to vector<128xf32>
    %broadcast_in_dim3A_206 = vector.shape_cast %reduce_min3A_205 : vector<128xf32> to vector<128x1xf32>
    %eq3A_207 = arith.constant 8 : i32
    %eq3A_208 = vector.broadcast %eq3A_207 : i32 to vector<128x16xi32>
    %eq3A_209 = arith.cmpi eq, %iota3A, %eq3A_208 : vector<128x16xi32>
    %convert_element_type3A_210 = arith.fptosi %broadcast_in_dim3A_206 : vector<128x1xf32> to vector<128x1xi32>
    %broadcast_in_dim3A_211 = vector.shape_cast %convert_element_type3A_210 : vector<128x1xi32> to vector<128x1xi32>
    %broadcast_in_dim3A_212 = vector.broadcast %broadcast_in_dim3A_211 : vector<128x1xi32> to vector<128x16xi32>
    %select_n3A_213 = arith.select %eq3A_209, %broadcast_in_dim3A_212, %select_n3A_192 : vector<128x16xi1>, vector<128x16xi32>
    %jit3A_214 = arith.constant 0x7F800000 : f32
    %broadcast_in_dim3A_215 = vector.broadcast %jit3A_214 : f32 to vector<128x2048xf32>
    %select_n3A_216 = arith.select %eq3A_200, %broadcast_in_dim3A_215, %select_n3A_195 : vector<128x2048xi1>, vector<128x2048xf32>
    %reduce_min3A_217 = arith.constant dense<0x7F800000> : vector<128xf32>
    %reduce_min3A_218 = vector.multi_reduction <minimumf>, %select_n3A_216, %reduce_min3A_217 [1] : vector<128x2048xf32> to vector<128xf32>
    %broadcast_in_dim3A_219 = vector.shape_cast %reduce_min3A_218 : vector<128xf32> to vector<128x1xf32>
    %eq3A_220 = vector.broadcast %broadcast_in_dim3A_219 : vector<128x1xf32> to vector<128x2048xf32>
    %eq3A_221 = arith.cmpf oeq, %select_n3A_216, %eq3A_220 : vector<128x2048xf32>
    %jit3A_222 = arith.constant 0x7F800000 : f32
    %broadcast_in_dim3A_223 = vector.broadcast %jit3A_222 : f32 to vector<128x2048xf32>
    %select_n3A_224 = arith.select %eq3A_221, %convert_element_type3A_29, %broadcast_in_dim3A_223 : vector<128x2048xi1>, vector<128x2048xf32>
    %reduce_min3A_225 = arith.constant dense<0x7F800000> : vector<128xf32>
    %reduce_min3A_226 = vector.multi_reduction <minimumf>, %select_n3A_224, %reduce_min3A_225 [1] : vector<128x2048xf32> to vector<128xf32>
    %broadcast_in_dim3A_227 = vector.shape_cast %reduce_min3A_226 : vector<128xf32> to vector<128x1xf32>
    %eq3A_228 = arith.constant 9 : i32
    %eq3A_229 = vector.broadcast %eq3A_228 : i32 to vector<128x16xi32>
    %eq3A_230 = arith.cmpi eq, %iota3A, %eq3A_229 : vector<128x16xi32>
    %convert_element_type3A_231 = arith.fptosi %broadcast_in_dim3A_227 : vector<128x1xf32> to vector<128x1xi32>
    %broadcast_in_dim3A_232 = vector.shape_cast %convert_element_type3A_231 : vector<128x1xi32> to vector<128x1xi32>
    %broadcast_in_dim3A_233 = vector.broadcast %broadcast_in_dim3A_232 : vector<128x1xi32> to vector<128x16xi32>
    %select_n3A_234 = arith.select %eq3A_230, %broadcast_in_dim3A_233, %select_n3A_213 : vector<128x16xi1>, vector<128x16xi32>
    %jit3A_235 = arith.constant 0x7F800000 : f32
    %broadcast_in_dim3A_236 = vector.broadcast %jit3A_235 : f32 to vector<128x2048xf32>
    %select_n3A_237 = arith.select %eq3A_221, %broadcast_in_dim3A_236, %select_n3A_216 : vector<128x2048xi1>, vector<128x2048xf32>
    %reduce_min3A_238 = arith.constant dense<0x7F800000> : vector<128xf32>
    %reduce_min3A_239 = vector.multi_reduction <minimumf>, %select_n3A_237, %reduce_min3A_238 [1] : vector<128x2048xf32> to vector<128xf32>
    %broadcast_in_dim3A_240 = vector.shape_cast %reduce_min3A_239 : vector<128xf32> to vector<128x1xf32>
    %eq3A_241 = vector.broadcast %broadcast_in_dim3A_240 : vector<128x1xf32> to vector<128x2048xf32>
    %eq3A_242 = arith.cmpf oeq, %select_n3A_237, %eq3A_241 : vector<128x2048xf32>
    %jit3A_243 = arith.constant 0x7F800000 : f32
    %broadcast_in_dim3A_244 = vector.broadcast %jit3A_243 : f32 to vector<128x2048xf32>
    %select_n3A_245 = arith.select %eq3A_242, %convert_element_type3A_29, %broadcast_in_dim3A_244 : vector<128x2048xi1>, vector<128x2048xf32>
    %reduce_min3A_246 = arith.constant dense<0x7F800000> : vector<128xf32>
    %reduce_min3A_247 = vector.multi_reduction <minimumf>, %select_n3A_245, %reduce_min3A_246 [1] : vector<128x2048xf32> to vector<128xf32>
    %broadcast_in_dim3A_248 = vector.shape_cast %reduce_min3A_247 : vector<128xf32> to vector<128x1xf32>
    %eq3A_249 = arith.constant 10 : i32
    %eq3A_250 = vector.broadcast %eq3A_249 : i32 to vector<128x16xi32>
    %eq3A_251 = arith.cmpi eq, %iota3A, %eq3A_250 : vector<128x16xi32>
    %convert_element_type3A_252 = arith.fptosi %broadcast_in_dim3A_248 : vector<128x1xf32> to vector<128x1xi32>
    %broadcast_in_dim3A_253 = vector.shape_cast %convert_element_type3A_252 : vector<128x1xi32> to vector<128x1xi32>
    %broadcast_in_dim3A_254 = vector.broadcast %broadcast_in_dim3A_253 : vector<128x1xi32> to vector<128x16xi32>
    %select_n3A_255 = arith.select %eq3A_251, %broadcast_in_dim3A_254, %select_n3A_234 : vector<128x16xi1>, vector<128x16xi32>
    %jit3A_256 = arith.constant 0x7F800000 : f32
    %broadcast_in_dim3A_257 = vector.broadcast %jit3A_256 : f32 to vector<128x2048xf32>
    %select_n3A_258 = arith.select %eq3A_242, %broadcast_in_dim3A_257, %select_n3A_237 : vector<128x2048xi1>, vector<128x2048xf32>
    %reduce_min3A_259 = arith.constant dense<0x7F800000> : vector<128xf32>
    %reduce_min3A_260 = vector.multi_reduction <minimumf>, %select_n3A_258, %reduce_min3A_259 [1] : vector<128x2048xf32> to vector<128xf32>
    %broadcast_in_dim3A_261 = vector.shape_cast %reduce_min3A_260 : vector<128xf32> to vector<128x1xf32>
    %eq3A_262 = vector.broadcast %broadcast_in_dim3A_261 : vector<128x1xf32> to vector<128x2048xf32>
    %eq3A_263 = arith.cmpf oeq, %select_n3A_258, %eq3A_262 : vector<128x2048xf32>
    %jit3A_264 = arith.constant 0x7F800000 : f32
    %broadcast_in_dim3A_265 = vector.broadcast %jit3A_264 : f32 to vector<128x2048xf32>
    %select_n3A_266 = arith.select %eq3A_263, %convert_element_type3A_29, %broadcast_in_dim3A_265 : vector<128x2048xi1>, vector<128x2048xf32>
    %reduce_min3A_267 = arith.constant dense<0x7F800000> : vector<128xf32>
    %reduce_min3A_268 = vector.multi_reduction <minimumf>, %select_n3A_266, %reduce_min3A_267 [1] : vector<128x2048xf32> to vector<128xf32>
    %broadcast_in_dim3A_269 = vector.shape_cast %reduce_min3A_268 : vector<128xf32> to vector<128x1xf32>
    %eq3A_270 = arith.constant 11 : i32
    %eq3A_271 = vector.broadcast %eq3A_270 : i32 to vector<128x16xi32>
    %eq3A_272 = arith.cmpi eq, %iota3A, %eq3A_271 : vector<128x16xi32>
    %convert_element_type3A_273 = arith.fptosi %broadcast_in_dim3A_269 : vector<128x1xf32> to vector<128x1xi32>
    %broadcast_in_dim3A_274 = vector.shape_cast %convert_element_type3A_273 : vector<128x1xi32> to vector<128x1xi32>
    %broadcast_in_dim3A_275 = vector.broadcast %broadcast_in_dim3A_274 : vector<128x1xi32> to vector<128x16xi32>
    %select_n3A_276 = arith.select %eq3A_272, %broadcast_in_dim3A_275, %select_n3A_255 : vector<128x16xi1>, vector<128x16xi32>
    %jit3A_277 = arith.constant 0x7F800000 : f32
    %broadcast_in_dim3A_278 = vector.broadcast %jit3A_277 : f32 to vector<128x2048xf32>
    %select_n3A_279 = arith.select %eq3A_263, %broadcast_in_dim3A_278, %select_n3A_258 : vector<128x2048xi1>, vector<128x2048xf32>
    %reduce_min3A_280 = arith.constant dense<0x7F800000> : vector<128xf32>
    %reduce_min3A_281 = vector.multi_reduction <minimumf>, %select_n3A_279, %reduce_min3A_280 [1] : vector<128x2048xf32> to vector<128xf32>
    %broadcast_in_dim3A_282 = vector.shape_cast %reduce_min3A_281 : vector<128xf32> to vector<128x1xf32>
    %eq3A_283 = vector.broadcast %broadcast_in_dim3A_282 : vector<128x1xf32> to vector<128x2048xf32>
    %eq3A_284 = arith.cmpf oeq, %select_n3A_279, %eq3A_283 : vector<128x2048xf32>
    %jit3A_285 = arith.constant 0x7F800000 : f32
    %broadcast_in_dim3A_286 = vector.broadcast %jit3A_285 : f32 to vector<128x2048xf32>
    %select_n3A_287 = arith.select %eq3A_284, %convert_element_type3A_29, %broadcast_in_dim3A_286 : vector<128x2048xi1>, vector<128x2048xf32>
    %reduce_min3A_288 = arith.constant dense<0x7F800000> : vector<128xf32>
    %reduce_min3A_289 = vector.multi_reduction <minimumf>, %select_n3A_287, %reduce_min3A_288 [1] : vector<128x2048xf32> to vector<128xf32>
    %broadcast_in_dim3A_290 = vector.shape_cast %reduce_min3A_289 : vector<128xf32> to vector<128x1xf32>
    %eq3A_291 = arith.constant 12 : i32
    %eq3A_292 = vector.broadcast %eq3A_291 : i32 to vector<128x16xi32>
    %eq3A_293 = arith.cmpi eq, %iota3A, %eq3A_292 : vector<128x16xi32>
    %convert_element_type3A_294 = arith.fptosi %broadcast_in_dim3A_290 : vector<128x1xf32> to vector<128x1xi32>
    %broadcast_in_dim3A_295 = vector.shape_cast %convert_element_type3A_294 : vector<128x1xi32> to vector<128x1xi32>
    %broadcast_in_dim3A_296 = vector.broadcast %broadcast_in_dim3A_295 : vector<128x1xi32> to vector<128x16xi32>
    %select_n3A_297 = arith.select %eq3A_293, %broadcast_in_dim3A_296, %select_n3A_276 : vector<128x16xi1>, vector<128x16xi32>
    %jit3A_298 = arith.constant 0x7F800000 : f32
    %broadcast_in_dim3A_299 = vector.broadcast %jit3A_298 : f32 to vector<128x2048xf32>
    %select_n3A_300 = arith.select %eq3A_284, %broadcast_in_dim3A_299, %select_n3A_279 : vector<128x2048xi1>, vector<128x2048xf32>
    %reduce_min3A_301 = arith.constant dense<0x7F800000> : vector<128xf32>
    %reduce_min3A_302 = vector.multi_reduction <minimumf>, %select_n3A_300, %reduce_min3A_301 [1] : vector<128x2048xf32> to vector<128xf32>
    %broadcast_in_dim3A_303 = vector.shape_cast %reduce_min3A_302 : vector<128xf32> to vector<128x1xf32>
    %eq3A_304 = vector.broadcast %broadcast_in_dim3A_303 : vector<128x1xf32> to vector<128x2048xf32>
    %eq3A_305 = arith.cmpf oeq, %select_n3A_300, %eq3A_304 : vector<128x2048xf32>
    %jit3A_306 = arith.constant 0x7F800000 : f32
    %broadcast_in_dim3A_307 = vector.broadcast %jit3A_306 : f32 to vector<128x2048xf32>
    %select_n3A_308 = arith.select %eq3A_305, %convert_element_type3A_29, %broadcast_in_dim3A_307 : vector<128x2048xi1>, vector<128x2048xf32>
    %reduce_min3A_309 = arith.constant dense<0x7F800000> : vector<128xf32>
    %reduce_min3A_310 = vector.multi_reduction <minimumf>, %select_n3A_308, %reduce_min3A_309 [1] : vector<128x2048xf32> to vector<128xf32>
    %broadcast_in_dim3A_311 = vector.shape_cast %reduce_min3A_310 : vector<128xf32> to vector<128x1xf32>
    %eq3A_312 = arith.constant 13 : i32
    %eq3A_313 = vector.broadcast %eq3A_312 : i32 to vector<128x16xi32>
    %eq3A_314 = arith.cmpi eq, %iota3A, %eq3A_313 : vector<128x16xi32>
    %convert_element_type3A_315 = arith.fptosi %broadcast_in_dim3A_311 : vector<128x1xf32> to vector<128x1xi32>
    %broadcast_in_dim3A_316 = vector.shape_cast %convert_element_type3A_315 : vector<128x1xi32> to vector<128x1xi32>
    %broadcast_in_dim3A_317 = vector.broadcast %broadcast_in_dim3A_316 : vector<128x1xi32> to vector<128x16xi32>
    %select_n3A_318 = arith.select %eq3A_314, %broadcast_in_dim3A_317, %select_n3A_297 : vector<128x16xi1>, vector<128x16xi32>
    %jit3A_319 = arith.constant 0x7F800000 : f32
    %broadcast_in_dim3A_320 = vector.broadcast %jit3A_319 : f32 to vector<128x2048xf32>
    %select_n3A_321 = arith.select %eq3A_305, %broadcast_in_dim3A_320, %select_n3A_300 : vector<128x2048xi1>, vector<128x2048xf32>
    %reduce_min3A_322 = arith.constant dense<0x7F800000> : vector<128xf32>
    %reduce_min3A_323 = vector.multi_reduction <minimumf>, %select_n3A_321, %reduce_min3A_322 [1] : vector<128x2048xf32> to vector<128xf32>
    %broadcast_in_dim3A_324 = vector.shape_cast %reduce_min3A_323 : vector<128xf32> to vector<128x1xf32>
    %eq3A_325 = vector.broadcast %broadcast_in_dim3A_324 : vector<128x1xf32> to vector<128x2048xf32>
    %eq3A_326 = arith.cmpf oeq, %select_n3A_321, %eq3A_325 : vector<128x2048xf32>
    %jit3A_327 = arith.constant 0x7F800000 : f32
    %broadcast_in_dim3A_328 = vector.broadcast %jit3A_327 : f32 to vector<128x2048xf32>
    %select_n3A_329 = arith.select %eq3A_326, %convert_element_type3A_29, %broadcast_in_dim3A_328 : vector<128x2048xi1>, vector<128x2048xf32>
    %reduce_min3A_330 = arith.constant dense<0x7F800000> : vector<128xf32>
    %reduce_min3A_331 = vector.multi_reduction <minimumf>, %select_n3A_329, %reduce_min3A_330 [1] : vector<128x2048xf32> to vector<128xf32>
    %broadcast_in_dim3A_332 = vector.shape_cast %reduce_min3A_331 : vector<128xf32> to vector<128x1xf32>
    %eq3A_333 = arith.constant 14 : i32
    %eq3A_334 = vector.broadcast %eq3A_333 : i32 to vector<128x16xi32>
    %eq3A_335 = arith.cmpi eq, %iota3A, %eq3A_334 : vector<128x16xi32>
    %convert_element_type3A_336 = arith.fptosi %broadcast_in_dim3A_332 : vector<128x1xf32> to vector<128x1xi32>
    %broadcast_in_dim3A_337 = vector.shape_cast %convert_element_type3A_336 : vector<128x1xi32> to vector<128x1xi32>
    %broadcast_in_dim3A_338 = vector.broadcast %broadcast_in_dim3A_337 : vector<128x1xi32> to vector<128x16xi32>
    %select_n3A_339 = arith.select %eq3A_335, %broadcast_in_dim3A_338, %select_n3A_318 : vector<128x16xi1>, vector<128x16xi32>
    %jit3A_340 = arith.constant 0x7F800000 : f32
    %broadcast_in_dim3A_341 = vector.broadcast %jit3A_340 : f32 to vector<128x2048xf32>
    %select_n3A_342 = arith.select %eq3A_326, %broadcast_in_dim3A_341, %select_n3A_321 : vector<128x2048xi1>, vector<128x2048xf32>
    %reduce_min3A_343 = arith.constant dense<0x7F800000> : vector<128xf32>
    %reduce_min3A_344 = vector.multi_reduction <minimumf>, %select_n3A_342, %reduce_min3A_343 [1] : vector<128x2048xf32> to vector<128xf32>
    %broadcast_in_dim3A_345 = vector.shape_cast %reduce_min3A_344 : vector<128xf32> to vector<128x1xf32>
    %eq3A_346 = vector.broadcast %broadcast_in_dim3A_345 : vector<128x1xf32> to vector<128x2048xf32>
    %eq3A_347 = arith.cmpf oeq, %select_n3A_342, %eq3A_346 : vector<128x2048xf32>
    %jit3A_348 = arith.constant 0x7F800000 : f32
    %broadcast_in_dim3A_349 = vector.broadcast %jit3A_348 : f32 to vector<128x2048xf32>
    %select_n3A_350 = arith.select %eq3A_347, %convert_element_type3A_29, %broadcast_in_dim3A_349 : vector<128x2048xi1>, vector<128x2048xf32>
    %reduce_min3A_351 = arith.constant dense<0x7F800000> : vector<128xf32>
    %reduce_min3A_352 = vector.multi_reduction <minimumf>, %select_n3A_350, %reduce_min3A_351 [1] : vector<128x2048xf32> to vector<128xf32>
    %broadcast_in_dim3A_353 = vector.shape_cast %reduce_min3A_352 : vector<128xf32> to vector<128x1xf32>
    %eq3A_354 = arith.constant 15 : i32
    %eq3A_355 = vector.broadcast %eq3A_354 : i32 to vector<128x16xi32>
    %eq3A_356 = arith.cmpi eq, %iota3A, %eq3A_355 : vector<128x16xi32>
    %convert_element_type3A_357 = arith.fptosi %broadcast_in_dim3A_353 : vector<128x1xf32> to vector<128x1xi32>
    %broadcast_in_dim3A_358 = vector.shape_cast %convert_element_type3A_357 : vector<128x1xi32> to vector<128x1xi32>
    %broadcast_in_dim3A_359 = vector.broadcast %broadcast_in_dim3A_358 : vector<128x1xi32> to vector<128x16xi32>
    %select_n3A_360 = arith.select %eq3A_356, %broadcast_in_dim3A_359, %select_n3A_339 : vector<128x16xi1>, vector<128x16xi32>
    %mul3A_361 = arith.constant 2048 : i32
    %mul3A_362 = arith.muli %arg0, %mul3A_361 : i32
    %add3A_363 = vector.broadcast %mul3A_362 : i32 to vector<128x16xi32>
    %add3A_364 = arith.addi %select_n3A_360, %add3A_363 : vector<128x16xi32>
    %swap3A = arith.constant 0 : index
    %swap3A_365 = arith.constant 0 : index
    %swap3A_366 = arith.constant 0 : index
    %swap3A_367 = vector.load %arg5[%swap3A, %swap3A_365, %swap3A_366] : memref<1x128x16xi32, #tpu.memory_space<vmem>>, vector<1x128x16xi32>
    %swap3A_368 = vector.shape_cast %swap3A_367 : vector<1x128x16xi32> to vector<128x16xi32>
    %swap3A_369 = vector.shape_cast %add3A_364 : vector<128x16xi32> to vector<1x128x16xi32>
    tpu.vector_store %arg5[%swap3A, %swap3A_365, %swap3A_366], %swap3A_369 {strides = array<i32>} : memref<1x128x16xi32, #tpu.memory_space<vmem>>, vector<1x128x16xi32>,
    %convert_element_type3A_370 = arith.truncf %get3A_3 : vector<128x3xf32> to vector<128x3xbf16>
    %get3A_371 = arith.constant 0 : index
    %get3A_372 = arith.constant 0 : index
    %get3A_373 = vector.load %arg4[%get3A_371, %get3A_372] : memref<3x128xf32, #tpu.memory_space<vmem>>, vector<3x128xf32>
    %convert_element_type3A_374 = arith.truncf %get3A_373 : vector<3x128xf32> to vector<3x128xbf16>
    %dot_general3A_375 = arith.constant dense<0.000000e+00> : vector<128x128xf32>
    %dot_general3A_376 = tpu.matmul %convert_element_type3A_370, %convert_element_type3A_374, %dot_general3A_375 {dimension_numbers = #tpu.dot_dimension_numbers<[1], [0], [0], [1], [0, 0, 1, 1], [], []>, transpose_lhs_hint = false} : vector<128x3xbf16>, vector<3x128xbf16>, vector<128x128xf32> -> vector<128x128xf32>
    %swap3A_377 = arith.constant 0 : index
    %swap3A_378 = arith.constant 0 : index
    %swap3A_379 = arith.constant 0 : index
    %swap3A_380 = vector.load %arg6[%swap3A_377, %swap3A_378, %swap3A_379] : memref<1x128x128xf32, #tpu.memory_space<vmem>>, vector<1x128x128xf32>
    %swap3A_381 = vector.shape_cast %swap3A_380 : vector<1x128x128xf32> to vector<128x128xf32>
    %swap3A_382 = vector.shape_cast %dot_general3A_376 : vector<128x128xf32> to vector<1x128x128xf32>
    tpu.vector_store %arg6[%swap3A_377, %swap3A_378, %swap3A_379], %swap3A_382 {strides = array<i32>} : memref<1x128x128xf32, #tpu.memory_space<vmem>>, vector<1x128x128xf32>,
    return
  }
  func.func @transform_0(%arg0: i32, %arg1: i32) -> (i32, i32, i32) {
    %c0_i32 = arith.constant 0 : i32
    %c0_i32_0 = arith.constant 0 : i32
    return %arg0, %arg1, %c0_i32 : i32, i32, i32
  }
  func.func @transform_1(%arg0: i32, %arg1: i32) -> (i32, i32, i32) {
    %c0_i32 = arith.constant 0 : i32
    %c0_i32_0 = arith.constant 0 : i32
    %c0_i32_1 = arith.constant 0 : i32
    return %arg0, %c0_i32, %c0_i32_0 : i32, i32, i32
  }
  func.func @transform_2(%arg0: i32, %arg1: i32) -> (i32, i32) {
    %c0_i32 = arith.constant 0 : i32
    %c0_i32_0 = arith.constant 0 : i32
    %c0_i32_1 = arith.constant 0 : i32
    return %c0_i32, %c0_i32_0 : i32, i32
  }
  func.func @transform_3(%arg0: i32, %arg1: i32) -> (i32, i32, i32) {
    %c0_i32 = arith.constant 0 : i32
    %c0_i32_0 = arith.constant 0 : i32
    return %arg0, %arg1, %c0_i32 : i32, i32, i32
  }
  func.func @transform_4(%arg0: i32, %arg1: i32) -> (i32, i32, i32) {
    %c0_i32 = arith.constant 0 : i32
    %c0_i32_0 = arith.constant 0 : i32
    return %arg0, %arg1, %c0_i32 : i32, i32, i32
  }
}

module attributes {stable_mosaic.version = 14 : i64} {
  func.func @_mlp_body(%arg0: i32, %arg1: i32, %arg2: memref<1x128x128xf32, #tpu.memory_space<vmem>>, %arg3: memref<1x128x128xf32, #tpu.memory_space<vmem>>, %arg4: memref<1x128x16x128xf32, #tpu.memory_space<vmem>>, %arg5: memref<1x128x16x128xf32, #tpu.memory_space<vmem>>, %arg6: memref<1x128xf32, #tpu.memory_space<vmem>>, %arg7: memref<128x128xbf16, #tpu.memory_space<vmem>>, %arg8: memref<1x128xf32, #tpu.memory_space<vmem>>, %arg9: memref<128x128xbf16, #tpu.memory_space<vmem>>, %arg10: memref<1x128xf32, #tpu.memory_space<vmem>>, %arg11: memref<128x128xbf16, #tpu.memory_space<vmem>>, %arg12: memref<1x128xf32, #tpu.memory_space<vmem>>, %arg13: memref<1x128x128xf32, #tpu.memory_space<vmem>>) attributes {dimension_semantics = [#tpu.dimension_semantics<arbitrary>, #tpu.dimension_semantics<arbitrary>], iteration_bounds = array<i64: 2, 16>, scalar_prefetch = 0 : i64, scratch_operands = 0 : i64, tpu.core_type = #tpu.core_type<tc>, window_params = [{transform_indices = @transform_0, window_bounds = array<i64: 1, 128, 128>}, {transform_indices = @transform_1, window_bounds = array<i64: 1, 128, 128>}, {transform_indices = @transform_2, window_bounds = array<i64: 1, 128, 16, 128>}, {transform_indices = @transform_3, window_bounds = array<i64: 1, 128, 16, 128>}, {pipeline_mode = #tpu.pipeline_mode<synchronous>, transform_indices = @transform_4, window_bounds = array<i64: 1, 128>}, {pipeline_mode = #tpu.pipeline_mode<synchronous>, transform_indices = @transform_5, window_bounds = array<i64: 128, 128>}, {pipeline_mode = #tpu.pipeline_mode<synchronous>, transform_indices = @transform_6, window_bounds = array<i64: 1, 128>}, {pipeline_mode = #tpu.pipeline_mode<synchronous>, transform_indices = @transform_7, window_bounds = array<i64: 128, 128>}, {pipeline_mode = #tpu.pipeline_mode<synchronous>, transform_indices = @transform_8, window_bounds = array<i64: 1, 128>}, {pipeline_mode = #tpu.pipeline_mode<synchronous>, transform_indices = @transform_9, window_bounds = array<i64: 128, 128>}, {pipeline_mode = #tpu.pipeline_mode<synchronous>, transform_indices = @transform_10, window_bounds = array<i64: 1, 128>}, {transform_indices = @transform_11, window_bounds = array<i64: 1, 128, 128>}]} {
    %get3A = arith.constant 0 : index
    %get3A_0 = arith.constant 0 : index
    %get3A_1 = arith.constant 0 : index
    %get3A_2 = arith.constant 0 : index
    %get3A_3 = vector.load %arg4[%get3A, %get3A_0, %get3A_1, %get3A_2] : memref<1x128x16x128xf32, #tpu.memory_space<vmem>>, vector<1x128x16x128xf32>
    %get3A_4 = vector.shape_cast %get3A_3 : vector<1x128x16x128xf32> to vector<128x16x128xf32>
    %reshape3A = vector.shape_cast %get3A_4 : vector<128x16x128xf32> to vector<2048x128xf32>
    %get3A_5 = arith.constant 0 : index
    %get3A_6 = arith.constant 0 : index
    %get3A_7 = arith.constant 0 : index
    %get3A_8 = arith.constant 0 : index
    %get3A_9 = vector.load %arg5[%get3A_5, %get3A_6, %get3A_7, %get3A_8] : memref<1x128x16x128xf32, #tpu.memory_space<vmem>>, vector<1x128x16x128xf32>
    %get3A_10 = vector.shape_cast %get3A_9 : vector<1x128x16x128xf32> to vector<128x16x128xf32>
    %reshape3A_11 = vector.shape_cast %get3A_10 : vector<128x16x128xf32> to vector<2048x128xf32>
    %get3A_12 = arith.constant 0 : index
    %get3A_13 = arith.constant 0 : index
    %get3A_14 = arith.constant 0 : index
    %get3A_15 = vector.load %arg3[%get3A_12, %get3A_13, %get3A_14] : memref<1x128x128xf32, #tpu.memory_space<vmem>>, vector<1x128x128xf32>
    %get3A_16 = vector.shape_cast %get3A_15 : vector<1x128x128xf32> to vector<128x128xf32>
    %broadcast_in_dim3A = vector.shape_cast %get3A_16 : vector<128x128xf32> to vector<128x1x128xf32>
    %broadcast_in_dim3A_17 = vector.shape_cast %broadcast_in_dim3A : vector<128x1x128xf32> to vector<128x1x128xf32>
    %broadcast_in_dim3A_18 = vector.broadcast %broadcast_in_dim3A_17 : vector<128x1x128xf32> to vector<128x16x128xf32>
    %reshape3A_19 = vector.shape_cast %broadcast_in_dim3A_18 : vector<128x16x128xf32> to vector<2048x128xf32>
    %sub3A = arith.subf %reshape3A_19, %reshape3A_11 : vector<2048x128xf32>
    %get3A_20 = arith.constant 0 : index
    %get3A_21 = arith.constant 0 : index
    %get3A_22 = vector.load %arg6[%get3A_20, %get3A_21] : memref<1x128xf32, #tpu.memory_space<vmem>>, vector<1x128xf32>
    %add3A = vector.broadcast %get3A_22 : vector<1x128xf32> to vector<2048x128xf32>
    %add3A_23 = arith.addf %sub3A, %add3A : vector<2048x128xf32>
    %max3A = arith.constant 0.000000e+00 : f32
    %max3A_24 = vector.broadcast %max3A : f32 to vector<2048x128xf32>
    %max3A_25 = arith.maximumf %add3A_23, %max3A_24 : vector<2048x128xf32>
    %convert_element_type3A = arith.truncf %max3A_25 : vector<2048x128xf32> to vector<2048x128xbf16>
    %get3A_26 = arith.constant 0 : index
    %get3A_27 = arith.constant 0 : index
    %get3A_28 = vector.load %arg7[%get3A_26, %get3A_27] : memref<128x128xbf16, #tpu.memory_space<vmem>>, vector<128x128xbf16>
    %dot_general3A = arith.constant dense<0.000000e+00> : vector<2048x128xf32>
    %dot_general3A_29 = tpu.matmul %convert_element_type3A, %get3A_28, %dot_general3A {dimension_numbers = #tpu.dot_dimension_numbers<[1], [0], [0], [1], [0, 0, 1, 1], [], []>, transpose_lhs_hint = false} : vector<2048x128xbf16>, vector<128x128xbf16>, vector<2048x128xf32> -> vector<2048x128xf32>
    %get3A_30 = arith.constant 0 : index
    %get3A_31 = arith.constant 0 : index
    %get3A_32 = vector.load %arg8[%get3A_30, %get3A_31] : memref<1x128xf32, #tpu.memory_space<vmem>>, vector<1x128xf32>
    %add3A_33 = vector.broadcast %get3A_32 : vector<1x128xf32> to vector<2048x128xf32>
    %add3A_34 = arith.addf %dot_general3A_29, %add3A_33 : vector<2048x128xf32>
    %add3A_35 = arith.addf %reshape3A, %add3A_34 : vector<2048x128xf32>
    %convert_element_type3A_36 = arith.truncf %add3A_35 : vector<2048x128xf32> to vector<2048x128xbf16>
    %get3A_37 = arith.constant 0 : index
    %get3A_38 = arith.constant 0 : index
    %get3A_39 = vector.load %arg9[%get3A_37, %get3A_38] : memref<128x128xbf16, #tpu.memory_space<vmem>>, vector<128x128xbf16>
    %dot_general3A_40 = arith.constant dense<0.000000e+00> : vector<2048x128xf32>
    %dot_general3A_41 = tpu.matmul %convert_element_type3A_36, %get3A_39, %dot_general3A_40 {dimension_numbers = #tpu.dot_dimension_numbers<[1], [0], [0], [1], [0, 0, 1, 1], [], []>, transpose_lhs_hint = false} : vector<2048x128xbf16>, vector<128x128xbf16>, vector<2048x128xf32> -> vector<2048x128xf32>
    %get3A_42 = arith.constant 0 : index
    %get3A_43 = arith.constant 0 : index
    %get3A_44 = vector.load %arg10[%get3A_42, %get3A_43] : memref<1x128xf32, #tpu.memory_space<vmem>>, vector<1x128xf32>
    %add3A_45 = vector.broadcast %get3A_44 : vector<1x128xf32> to vector<2048x128xf32>
    %add3A_46 = arith.addf %dot_general3A_41, %add3A_45 : vector<2048x128xf32>
    %max3A_47 = arith.constant 0.000000e+00 : f32
    %max3A_48 = vector.broadcast %max3A_47 : f32 to vector<2048x128xf32>
    %max3A_49 = arith.maximumf %add3A_46, %max3A_48 : vector<2048x128xf32>
    %convert_element_type3A_50 = arith.truncf %max3A_49 : vector<2048x128xf32> to vector<2048x128xbf16>
    %get3A_51 = arith.constant 0 : index
    %get3A_52 = arith.constant 0 : index
    %get3A_53 = vector.load %arg11[%get3A_51, %get3A_52] : memref<128x128xbf16, #tpu.memory_space<vmem>>, vector<128x128xbf16>
    %dot_general3A_54 = arith.constant dense<0.000000e+00> : vector<2048x128xf32>
    %dot_general3A_55 = tpu.matmul %convert_element_type3A_50, %get3A_53, %dot_general3A_54 {dimension_numbers = #tpu.dot_dimension_numbers<[1], [0], [0], [1], [0, 0, 1, 1], [], []>, transpose_lhs_hint = false} : vector<2048x128xbf16>, vector<128x128xbf16>, vector<2048x128xf32> -> vector<2048x128xf32>
    %get3A_56 = arith.constant 0 : index
    %get3A_57 = arith.constant 0 : index
    %get3A_58 = vector.load %arg12[%get3A_56, %get3A_57] : memref<1x128xf32, #tpu.memory_space<vmem>>, vector<1x128xf32>
    %add3A_59 = vector.broadcast %get3A_58 : vector<1x128xf32> to vector<2048x128xf32>
    %add3A_60 = arith.addf %dot_general3A_55, %add3A_59 : vector<2048x128xf32>
    %reshape3A_61 = vector.shape_cast %add3A_60 : vector<2048x128xf32> to vector<128x16x128xf32>
    %reduce_max3A = arith.constant dense<0xFF800000> : vector<128x128xf32>
    %reduce_max3A_62 = vector.multi_reduction <maximumf>, %reshape3A_61, %reduce_max3A [1] : vector<128x16x128xf32> to vector<128x128xf32>
    %broadcast_in_dim3A_63 = vector.shape_cast %reduce_max3A_62 : vector<128x128xf32> to vector<128x1x128xf32>
    %sub3A_64 = vector.broadcast %broadcast_in_dim3A_63 : vector<128x1x128xf32> to vector<128x16x128xf32>
    %sub3A_65 = arith.subf %reshape3A_61, %sub3A_64 : vector<128x16x128xf32>
    %exp3A = math.exp %sub3A_65 : vector<128x16x128xf32>
    %reduce_sum3A = arith.constant dense<0.000000e+00> : vector<128x128xf32>
    %reduce_sum3A_66 = vector.multi_reduction <add>, %exp3A, %reduce_sum3A [1] : vector<128x16x128xf32> to vector<128x128xf32>
    %broadcast_in_dim3A_67 = vector.shape_cast %reduce_sum3A_66 : vector<128x128xf32> to vector<128x1x128xf32>
    %div3A = vector.broadcast %broadcast_in_dim3A_67 : vector<128x1x128xf32> to vector<128x16x128xf32>
    %div3A_68 = arith.divf %exp3A, %div3A : vector<128x16x128xf32>
    %reshape3A_69 = vector.shape_cast %add3A_35 : vector<2048x128xf32> to vector<128x16x128xf32>
    %mul3A = arith.mulf %div3A_68, %reshape3A_69 : vector<128x16x128xf32>
    %reduce_sum3A_70 = arith.constant dense<0.000000e+00> : vector<128x128xf32>
    %reduce_sum3A_71 = vector.multi_reduction <add>, %mul3A, %reduce_sum3A_70 [1] : vector<128x16x128xf32> to vector<128x128xf32>
    %get3A_72 = arith.constant 0 : index
    %get3A_73 = arith.constant 0 : index
    %get3A_74 = arith.constant 0 : index
    %get3A_75 = vector.load %arg2[%get3A_72, %get3A_73, %get3A_74] : memref<1x128x128xf32, #tpu.memory_space<vmem>>, vector<1x128x128xf32>
    %get3A_76 = vector.shape_cast %get3A_75 : vector<1x128x128xf32> to vector<128x128xf32>
    %add3A_77 = arith.addf %get3A_76, %reduce_sum3A_71 : vector<128x128xf32>
    %swap3A = arith.constant 0 : index
    %swap3A_78 = arith.constant 0 : index
    %swap3A_79 = arith.constant 0 : index
    %swap3A_80 = vector.load %arg13[%swap3A, %swap3A_78, %swap3A_79] : memref<1x128x128xf32, #tpu.memory_space<vmem>>, vector<1x128x128xf32>
    %swap3A_81 = vector.shape_cast %swap3A_80 : vector<1x128x128xf32> to vector<128x128xf32>
    %swap3A_82 = vector.shape_cast %add3A_77 : vector<128x128xf32> to vector<1x128x128xf32>
    tpu.vector_store %arg13[%swap3A, %swap3A_78, %swap3A_79], %swap3A_82 {strides = array<i32>} : memref<1x128x128xf32, #tpu.memory_space<vmem>>, vector<1x128x128xf32>,
    return
  }
  func.func @transform_0(%arg0: i32, %arg1: i32) -> (i32, i32, i32) {
    %c0_i32 = arith.constant 0 : i32
    %c0_i32_0 = arith.constant 0 : i32
    return %arg0, %arg1, %c0_i32 : i32, i32, i32
  }
  func.func @transform_1(%arg0: i32, %arg1: i32) -> (i32, i32, i32) {
    %c0_i32 = arith.constant 0 : i32
    %c0_i32_0 = arith.constant 0 : i32
    return %arg0, %arg1, %c0_i32 : i32, i32, i32
  }
  func.func @transform_2(%arg0: i32, %arg1: i32) -> (i32, i32, i32, i32) {
    %c0_i32 = arith.constant 0 : i32
    %c0_i32_0 = arith.constant 0 : i32
    %c0_i32_1 = arith.constant 0 : i32
    return %arg0, %arg1, %c0_i32, %c0_i32_0 : i32, i32, i32, i32
  }
  func.func @transform_3(%arg0: i32, %arg1: i32) -> (i32, i32, i32, i32) {
    %c0_i32 = arith.constant 0 : i32
    %c0_i32_0 = arith.constant 0 : i32
    %c0_i32_1 = arith.constant 0 : i32
    return %arg0, %arg1, %c0_i32, %c0_i32_0 : i32, i32, i32, i32
  }
  func.func @transform_4(%arg0: i32, %arg1: i32) -> (i32, i32) {
    %c0_i32 = arith.constant 0 : i32
    %c0_i32_0 = arith.constant 0 : i32
    %c0_i32_1 = arith.constant 0 : i32
    return %c0_i32, %c0_i32_0 : i32, i32
  }
  func.func @transform_5(%arg0: i32, %arg1: i32) -> (i32, i32) {
    %c0_i32 = arith.constant 0 : i32
    %c0_i32_0 = arith.constant 0 : i32
    %c0_i32_1 = arith.constant 0 : i32
    return %c0_i32, %c0_i32_0 : i32, i32
  }
  func.func @transform_6(%arg0: i32, %arg1: i32) -> (i32, i32) {
    %c0_i32 = arith.constant 0 : i32
    %c0_i32_0 = arith.constant 0 : i32
    %c0_i32_1 = arith.constant 0 : i32
    return %c0_i32, %c0_i32_0 : i32, i32
  }
  func.func @transform_7(%arg0: i32, %arg1: i32) -> (i32, i32) {
    %c0_i32 = arith.constant 0 : i32
    %c0_i32_0 = arith.constant 0 : i32
    %c0_i32_1 = arith.constant 0 : i32
    return %c0_i32, %c0_i32_0 : i32, i32
  }
  func.func @transform_8(%arg0: i32, %arg1: i32) -> (i32, i32) {
    %c0_i32 = arith.constant 0 : i32
    %c0_i32_0 = arith.constant 0 : i32
    %c0_i32_1 = arith.constant 0 : i32
    return %c0_i32, %c0_i32_0 : i32, i32
  }
  func.func @transform_9(%arg0: i32, %arg1: i32) -> (i32, i32) {
    %c0_i32 = arith.constant 0 : i32
    %c0_i32_0 = arith.constant 0 : i32
    %c0_i32_1 = arith.constant 0 : i32
    return %c0_i32, %c0_i32_0 : i32, i32
  }
  func.func @transform_10(%arg0: i32, %arg1: i32) -> (i32, i32) {
    %c0_i32 = arith.constant 0 : i32
    %c0_i32_0 = arith.constant 0 : i32
    %c0_i32_1 = arith.constant 0 : i32
    return %c0_i32, %c0_i32_0 : i32, i32
  }
  func.func @transform_11(%arg0: i32, %arg1: i32) -> (i32, i32, i32) {
    %c0_i32 = arith.constant 0 : i32
    %c0_i32_0 = arith.constant 0 : i32
    return %arg0, %arg1, %c0_i32 : i32, i32, i32
  }
}

</mosaic_0001>

<sc_bundles>
// kernel: kernel.14.cloned.1.call-start
scs
__scs_entry_jumppad:
0x0: {  	(pc) =	sbr.rel $0x88, $3  }
0x1: {  	(tag) =	ssettag $0x0;
	lr =	simm.s32 $0x1  }
0x2: {  	[smem:$0x3F97] =	sst lr;
	_ =	strace $0xD0000000  }
0x3: {  	_ = 	snop  }
0x4: {  	_ = 	snop  }
0x5: {  	_ = 	snop  }
0x6: {  	_ = 	snop  }
0x7: {  	_ = 	snop  }
__scs_overlays_trampoline_lowered:
0x8: {  	[smem:$0x3FA6] =	sst s0  }
0x9: {  	[smem:$0x3FA7] =	sst s1  }
0xa: {  	[smem:$0x3FA8] =	sst s2  }
0xb: {  	[smem:$0x3FA9] =	sst s3  }
0xc: {  	[smem:$0x3FAA] =	sst s4  }
0xd: {  	[smem:$0x3FAB] =	sst s5  }
0xe: {  	[smem:$0x3FAC] =	sst s6  }
0xf: {  	[smem:$0x3FAD] =	sst s7  }
0x10: {  	[smem:$0x3FAE] =	sst s8  }
0x11: {  	[smem:$0x3FAF] =	sst s9;
	s0 =	simm.s32 @!p0 $0x0  }
0x12: {  	s1 =	sld [smem:$0x3F95];
	s0 =	simm.s32 @p0 $0x1  }
0x13: {  	[smem:$0x3FB0] =	sst s0;
	s0 =	simm.s32 @!p1 $0x0  }
0x14: {  	s2 =	sld [smem:$0x3F94];
	s0 =	simm.s32 @p1 $0x1  }
0x15: {  	[smem:$0x3FB1] =	sst s0;
	s0 =	simm.s32 @!p2 $0x0  }
0x16: {  	s3 =	sld [smem:$0x3FDB];
	s0 =	simm.s32 @p2 $0x1  }
0x17: {  	s4 =	simm.s32 $0x1BF5;
	[smem:$0x3FB3] =	sst s0  }
0x18: {  	s0 =	sld [smem:$0x3F96];
	_ =	swait.ge [sflag:s4], $0x0  }
0x19: {  	s7 =	sld [smem:$0x3F97]  }
0x1a: {  	s8 =	sadd.s32 $0xFFFFE003, lr  }
0x1b: {  	s9 =	sadd.s32 $0xFFFFFEF7, lr;
	s5 =	simm.s32 $0xFFFFFFFF;
	p2 =	slt.u32 s8, $0xFFFFF086  }
0x1c: {  	p1 =	slt.u32 s9, $0xF7A;
	s5 =	simm.s32 @!p2 $0x0  }
0x1d: {  	s5 =	simm.s32 @p1 $0x1;
	p0 =	seq.s32 s7, s2  }
0x1e: {  	s7 =	smul.u32 @!p0 $0xF7A, s2;
	p2 =	seq.s32 @!p0 s5, $0x0  }
0x1f: {  	s9 =	smul.u32 $0xF7A, s1;
	s8 =	simm.s32 @!p0 $0x1BF5;
	p2 =	por !p2, p0  }
0x20: {  	[sflag:s8] =	ssyncset.s32 @!p0 $0xFFFFF086;
	s6 =	sadd.s32 @!p0 s3, s7;
	s7 =	simm.s32 @!p0 $0x108  }
0x21: {  	s3 =	sadd.s32 s3, s9;
	s6 =	sadd.s32 @!p0 $0x88, s6;
	s7 =	simm.s32 @p2 $0x1082  }
0x22: {  	[simem:s7], [sflag:s8] =	dma.local @!p0 [hbm:s6], $0xF7A  }
0x23: {  	s9 =	sor.u32 $0xD0000000, s2;
	s6 =	simm.s32 $0x108;
	_ =	swait.ge @!p0 [sflag:s8], $0x0  }
0x24: {  	s3 =	sadd.s32 $0x88, s3;
	s6 =	simm.s32 @!p1 $0x1082;
	[sflag:s4] =	ssyncset.s32 $0xFFFFF086  }
0x25: {  	[simem:s6], [sflag:s4] =	dma.local [hbm:s3], $0xF7A  }
0x26: {  	[smem:$0x3F97] =	sst s1;
	(tag) =	ssettag s2;
	_ =	strace s9  }
0x27: {  	s1 =	sld [smem:$0x3FA7]  }
0x28: {  	s2 =	sld [smem:$0x3FA8]  }
0x29: {  	s4 =	sld [smem:$0x3FAA]  }
0x2a: {  	p0 =	seq.s32 s5, $0x0;
	s5 =	sld [smem:$0x3FAB]  }
0x2b: {  	s6 =	sld [smem:$0x3FAC]  }
0x2c: {  	s7 =	sld [smem:$0x3FAD]  }
0x2d: {  	s3 =	simm.s32 $0x108;
	s8 =	sld [smem:$0x3FAE]  }
0x2e: {  	s3 =	simm.s32 @!p0 $0x1082;
	s9 =	sld [smem:$0x3FAF]  }
0x2f: {  	lr =	sadd.s32 s0, s3;
	s0 =	sld [smem:$0x3FA6]  }
0x30: {  	s3 =	sld [smem:$0x3FA9]  }
0x31: {  	[smem:$0x3FB2] =	sst s10  }
0x32: {  	s10 =	sld [smem:$0x3FB0];
	_ =	sdelay $0x3  }
0x33: {  	p0 =	seq.s32 s10, $0x1;
	s10 =	sld [smem:$0x3FB2];
	_ =	sdelay $0x3  }
0x34: {  	[smem:$0x3FB2] =	sst s10  }
0x35: {  	s10 =	sld [smem:$0x3FB1];
	_ =	sdelay $0x3  }
0x36: {  	p1 =	seq.s32 s10, $0x1;
	s10 =	sld [smem:$0x3FB2];
	_ =	sdelay $0x3  }
0x37: {  	[smem:$0x3FB2] =	sst s10  }
0x38: {  	s10 =	sld [smem:$0x3FB3]  }
0x39: {  	_ = 	snop;
	(pc) =	sbr.ind lr, $3  }
0x3a: {  	_ = 	snop  }
0x3b: {  	_ = 	snop  }
0x3c: {  	p2 =	seq.s32 s10, $0x1;
	s10 =	sld [smem:$0x3FB2]  }
0x3d: {  	_ =	shalt  }
0x3e: {  	_ =	shalt  }
0x3f: {  	_ =	shalt  }
0x40: {  	_ =	shalt  }
0x41: {  	_ =	shalt  }
0x42: {  	_ =	shalt  }
0x43: {  	_ =	shalt  }
0x44: {  	_ =	shalt  }
0x45: {  	_ =	shalt  }
0x46: {  	_ =	shalt  }
0x47: {  	_ =	shalt  }
0x48: {  	_ =	shalt  }
0x49: {  	_ =	shalt  }
0x4a: {  	_ =	shalt  }
0x4b: {  	_ =	shalt  }
0x4c: {  	_ =	shalt  }
0x4d: {  	_ =	shalt  }
0x4e: {  	_ =	shalt  }
0x4f: {  	_ =	shalt  }
0x50: {  	_ =	shalt  }
0x51: {  	_ =	shalt  }
0x52: {  	_ =	shalt  }
0x53: {  	_ =	shalt  }
0x54: {  	_ =	shalt  }
0x55: {  	_ =	shalt  }
0x56: {  	_ =	shalt  }
0x57: {  	_ =	shalt  }
0x58: {  	_ =	shalt  }
0x59: {  	_ =	shalt  }
0x5a: {  	_ =	shalt  }
0x5b: {  	_ =	shalt  }
0x5c: {  	_ =	shalt  }
0x5d: {  	_ =	shalt  }
0x5e: {  	_ =	shalt  }
0x5f: {  	_ =	shalt  }
0x60: {  	_ =	shalt  }
0x61: {  	_ =	shalt  }
0x62: {  	_ =	shalt  }
0x63: {  	_ =	shalt  }
0x64: {  	_ =	shalt  }
0x65: {  	_ =	shalt  }
0x66: {  	_ =	shalt  }
0x67: {  	_ =	shalt  }
0x68: {  	_ =	shalt  }
0x69: {  	_ =	shalt  }
0x6a: {  	_ =	shalt  }
0x6b: {  	_ =	shalt  }
0x6c: {  	_ =	shalt  }
0x6d: {  	_ =	shalt  }
0x6e: {  	_ =	shalt  }
0x6f: {  	_ =	shalt  }
0x70: {  	_ =	shalt  }
0x71: {  	_ =	shalt  }
0x72: {  	_ =	shalt  }
0x73: {  	_ =	shalt  }
0x74: {  	_ =	shalt  }
0x75: {  	_ =	shalt  }
0x76: {  	_ =	shalt  }
0x77: {  	_ =	shalt  }
0x78: {  	_ =	shalt  }
0x79: {  	_ =	shalt  }
0x7a: {  	_ =	shalt  }
0x7b: {  	_ =	shalt  }
0x7c: {  	_ =	shalt  }
0x7d: {  	_ =	shalt  }
0x7e: {  	_ =	shalt  }
0x7f: {  	_ =	shalt  }
0x80: {  	_ =	shalt  }
0x81: {  	_ =	shalt  }
0x82: {  	_ =	shalt  }
0x83: {  	_ =	shalt  }
0x84: {  	_ =	shalt  }
0x85: {  	_ =	shalt  }
0x86: {  	_ =	shalt  }
0x87: {  	_ =	shalt  }
.Lfunc_end0:
.L_simem_size_0:
called_computation_lowered:
.L_overlay_start_0:
0x88: {  	s2 =	sld [smem:$0x3FD9]  }
0x89: {  	s3 =	sld [smem:$0x3FFE];
	_ =	sdelay $0x1  }
0x8a: {  	s1 =	srdreg.scid  }
0x8b: {  	s0 =	sand.u32 $0x1, s1  }
0x8c: {  	s17 =	sshll.u32 s0, $0xA;
	s2 =	sadd.s32 s3, s2  }
0x8d: {  	s2 =	sadd.s32 s2, s17  }
0x8e: {  	[smem:$0x3FBE] =	sst s2  }
0x8f: {  	_ = 	snop  }
0x90: {  	s2 =	sld [smem:$0x3FD0];
	(tm) =	ssettm $0x1  }
0x91: {  	s18 =	sld [smem:$0x3FFB];
	_ =	sdelay $0x3  }
0x92: {  	_ =	strace s18  }
0x93: {  	s3 =	sld [smem:$0x3FFC];
	_ =	sdelay $0x3  }
0x94: {  	_ =	strace s3  }
0x95: {  	s3 =	sld [smem:$0x3FFD];
	_ =	sdelay $0x3  }
0x96: {  	_ =	strace s3  }
0x97: {  	_ =	strace $0x8FFFFFFF  }
0x98: {  	s19 =	sld [smem:$0x3FDB];
	_ =	sdelay $0x1  }
0x99: {  	s4 =	simm.s32 $_scs_section_size  }
0x9a: {  	s5 =	simm.s32 $_size__tile_overlayer_lowered;
	s6 =	simm.s32 $_tile_overlayer_lowered  }
0x9b: {  	s22 =	simm.s32 $0x1BFF;
	s21 =	sshll.u32 s6, $0x1;
	s3 =	sadd.s32 s4, s19  }
0x9c: {  	s7 =	simm.s32 $0x0;
	s20 =	sshll.u32 s5, $0x1;
	s5 =	sadd.s32 s21, s3  }
0x9d: {  	[timem:s7], [sflag:s22] =	dma.local [hbm:s5], s20  }
0x9e: {  	_ =	swait.ge [sflag:s22], s20  }
0x9f: {  	s4 =	ssub.s32 $0x0, s20;
	[sflag:s22] =	ssyncset.done $0x0  }
0xa0: {  	[sflag:s22] =	ssyncadd.s32 s4;
	_ =	sdelay $0x1  }
0xa1: {  	s23 =	simm.s32 $0x1B8B  }
0xa2: {  	_ =	swait.ge [sflag:s23], $0x1  }
0xa3: {  	[sflag:s23] =	ssyncset.done $0x0  }
0xa4: {  	s25 =	simm.s32 $0x1B8E;
	s24 =	sld [smem:$0x3FFE];
	[sflag:s23] =	ssyncadd.s32 $0xFFFFFFFF  }
0xa5: {  	s26 =	simm.s32 $execute0_lowered;
	[smem:$0x3FD2] =	sst s25  }
0xa6: {  	s5 =	sshll.u32 s26, $0x1;
	_ =	strace $0x80000046;
	[dreg:$0x1] =	wrdreg $0xFFFFFFFF  }
0xa7: {  	s28 =	simm.s32 $_size_execute0_lowered;
	s3 =	sadd.s32 s3, s5;
	[dreg:$0x0] =	wrdreg $0x0  }
0xa8: {  	s5 =	sshll.u32 s28, $0x1;
	[dreg:$0x2] =	wrdreg s3  }
0xa9: {  	[dreg:$0x3] =	wrdreg s5  }
0xaa: {  	[dreg:$0x4] =	wrdreg $0xC0  }
0xab: {  	_ =	task [dreg:s7], $0x5FFFF  }
0xac: {  	[dreg:$0x1] =	wrdreg $0xFFFFFFFF  }
0xad: {  	[dreg:$0x0] =	wrdreg $0x60  }
0xae: {  	[dreg:$0x2] =	wrdreg s2  }
0xaf: {  	[dreg:$0x3] =	wrdreg s24  }
0xb0: {  	[dreg:$0x4] =	wrdreg $0x9  }
0xb1: {  	_ =	task.clear_ibuf [dreg:s7], $0x5FFFF;
	_ =	strace $0x90000046  }
0xb2: {  	s29 =	simm.s32 $0x9;
	_ =	strace $0x80000048  }
0xb3: {  	_ =	swait.ge [sflag:s29], $0x1  }
0xb4: {  	[sflag:s29] =	ssyncadd.s32 $0xFFFFFFFF  }
0xb5: {  	_ =	strace $0x90000048  }
0xb6: {  	_ =	sfence  }
0xb7: {  	s30 =	sld [smem:$0x0];
	_ =	sdelay $0x2  }
0xb8: {  	s31 =	sshll.u32 s1, $0xD;
	s1 =	sshrl.u32 s1, $0x2  }
0xb9: {  	s3 =	sand.u32 $0x4000, s31;
	s1 =	sadd.s32 s1, s30  }
0xba: {  	s0 =	sor.u32 s3, s0;
	s1 =	sshll.u32 s1, $0x11  }
0xbb: {  	s0 =	sor.u32 s1, s0  }
0xbc: {  	s0 =	sadd.s32 $0x8F2B, s0  }
0xbd: {  	[sflag:s0] =	ssyncadd.remote.s32 $0x1  }
0xbe: {  	_ =	sfence.sel $0xFFFF  }
0xbf: {  	[dreg:$0x0] =	wrdreg $0xFFFFFFFF;
	(pc) =	sbr.abs _section_cstart, $3  }
0xc0: {  	[dreg:$0x1] =	wrdreg $0xFFFFFFFF  }
0xc1: {  	_ =	task.clear_ibuf [dreg:s7], $0x2FFFF;
	_ =	strace $0x9FFFFFFF  }
0xc2: {  	(tm) =	ssettm $0x7FFFFFFF  }
0xc3: {  	_ =	shalt  }
tec
execute0_lowered:
.L_overlay_start_1:
0x0: {  	(tag) =	ssettag $0x1  }
0x1: {  	s1 =	rddreg [dreg:$0x0]  }
0x2: {  	s5 =	rddreg [dreg:$0x1]  }
0x3: {  	s0 =	rddreg [dreg:$0x2]  }
0x4: {  	s2 =	simm.s32 $0x0;
	s3 =	srdreg.scid;
	s16 =	simm.s32 $0x2  }
0x5: {  	s17 =	simm.s32 $0x3;
	s18 =	simm.s32 $0x4;
	s19 =	simm.s32 $0x0  }
0x6: {  	[smem:$0x7FF] =	sst s2;
	s4 =	sadd.s32 $0x5800, s5;
	s9 =	sand.u32 $0x1, s3  }
0x7: {  	s11 =	sadd.s32 $0x15800, s5;
	s3 =	stileid.u32;
	s12 =	sadd.s32 $0x47800, s5  }
0x8: {  	s13 =	sadd.s32 $0x147800, s5;
	_ =	strace $0x80000047;
	s6 =	ssub.s32 $0x2, s9  }
0x9: {  	s8 =	sshll.u32 s3, $0xC;
	s10 =	sshll.u32 s9, $0xB;
	s14 =	sshll.u32 s3, $0x10  }
0xa: {  	s15 =	sshll.u32 s9, $0xF;
	s7 =	sshrl.u32 s6, $0x1;
	s10 =	sor.u32 s10, s8  }
0xb: {  	s6 =	ssub.s32 s6, s7;
	s29 =	sshrl.u32 s10, $0x3;
	s8 =	sshll.u32 s10, $0x4  }
0xc: {  	s30 =	sor.u32 $0x80, s10;
	s5 =	smax.u32 s6, $0x1;
	s6 =	sadd.s32 s11, s29  }
0xd: {  	s7 =	sadd.s32 s12, s8;
	s8 =	sadd.s32 s13, s8;
	s12 =	sadd.s32 s14, s12  }
0xe: {  	s13 =	sadd.s32 s14, s13;
	s31 =	sshrl.u32 s30, $0x3;
	s14 =	simm.s32 $0x4080  }
0xf: {  	s9 =	sadd.s32 s15, s12;
	s10 =	sadd.s32 s15, s13;
	s11 =	sadd.s32 s31, s11  }
0x10: {  	s12 =	simm.s32 $0x5;
	s13 =	simm.s32 $0x80;
	s15 =	simm.s32 $0x1  }
.LBB2_1:
0x11: {  	[tilespmem:s2], [sflag:$0x5] =	stream.linear.gather [hbm4b:s6+s2], $0x80, $0x38;
	[tilespmem:$0x8080] =	vst v63  }
0x12: {  	_ =	swait.ge [sflag:s12], $0x80  }
0x13: {  	[sflag:s12] =	ssyncset.done $0x0  }
0x14: {  	[sflag:s12] =	ssyncadd.s32 $0xFFFFFF80  }
0x15: {  	[tilespmem:s13], [sflag:$0x1] =	stream.indirect.gather [hbm4b:s1+s13], $0x80, s2, s13, $0xb8;
	[tilespmem:$0x8080] =	vst v63  }
0x16: {  	_ = 	snop  }
0x17: {  	[tilespmem:s14], [sflag:$0x2] =	stream.indirect.gather [hbm4b:s4+s13], $0x80, s2, s13, $0xb8;
	[tilespmem:$0x8080] =	vst v63  }
0x18: {  	_ =	swait.ge [sflag:s15], $0x4000  }
0x19: {  	[sflag:s15] =	ssyncset.done $0x0  }
0x1a: {  	[sflag:s15] =	ssyncadd.s32 $0xFFFFC000  }
0x1b: {  	_ =	swait.ge [sflag:s16], $0x4000  }
0x1c: {  	[sflag:s16] =	ssyncset.done $0x0  }
0x1d: {  	[sflag:s16] =	ssyncadd.s32 $0xFFFFC000  }
0x1e: {  	[hbm4b:s7+s2] =	stream.linear.scatter [tilespmem:s13], [sflag:$0x3], $0x4000, $0x38;
	[tilespmem:$0x8080] =	vst v63  }
0x1f: {  	_ = 	snop  }
0x20: {  	[hbm4b:s8+s2] =	stream.linear.scatter [tilespmem:s14], [sflag:$0x4], $0x4000, $0x38;
	[tilespmem:$0x8080] =	vst v63  }
0x21: {  	_ = 	snop  }
0x22: {  	[tilespmem:s2], [sflag:$0x5] =	stream.linear.gather [hbm4b:s11+s2], $0x80, $0x38;
	[tilespmem:$0x8080] =	vst v63  }
0x23: {  	_ =	swait.ge [sflag:s12], $0x80  }
0x24: {  	[sflag:s12] =	ssyncset.done $0x0  }
0x25: {  	[sflag:s12] =	ssyncadd.s32 $0xFFFFFF80  }
0x26: {  	_ =	swait.ge [sflag:s17], $0x4000  }
0x27: {  	[sflag:s17] =	ssyncset.done $0x0  }
0x28: {  	[sflag:s17] =	ssyncadd.s32 $0xFFFFC000  }
0x29: {  	_ =	swait.ge [sflag:s18], $0x4000  }
0x2a: {  	[sflag:s18] =	ssyncset.done $0x0  }
0x2b: {  	[sflag:s18] =	ssyncadd.s32 $0xFFFFC000  }
0x2c: {  	[tilespmem:s13], [sflag:$0x1] =	stream.indirect.gather [hbm4b:s1+s13], $0x80, s2, s13, $0xb8;
	[tilespmem:$0x8080] =	vst v63  }
0x2d: {  	_ = 	snop  }
0x2e: {  	[tilespmem:s14], [sflag:$0x2] =	stream.indirect.gather [hbm4b:s4+s13], $0x80, s2, s13, $0xb8;
	[tilespmem:$0x8080] =	vst v63  }
0x2f: {  	_ =	swait.ge [sflag:s15], $0x4000  }
0x30: {  	[sflag:s15] =	ssyncset.done $0x0  }
0x31: {  	[sflag:s15] =	ssyncadd.s32 $0xFFFFC000  }
0x32: {  	_ =	swait.ge [sflag:s16], $0x4000  }
0x33: {  	[sflag:s16] =	ssyncset.done $0x0  }
0x34: {  	s20 =	sadd.s32 $0x800, s9;
	[sflag:s16] =	ssyncadd.s32 $0xFFFFC000  }
0x35: {  	[hbm4b:s20+s2] =	stream.linear.scatter [tilespmem:s13], [sflag:$0x3], $0x4000, $0x38;
	[tilespmem:$0x8080] =	vst v63  }
0x36: {  	s22 =	sadd.s32 $0x800, s10;
	s21 =	sadd.s32 $0x10, s11;
	s20 =	simm.s32 $0x1000  }
.LBB2_2:
0x37: {  	[hbm4b:s22+s2] =	stream.linear.scatter [tilespmem:s14], [sflag:$0x4], $0x4000, $0x38;
	[tilespmem:$0x8080] =	vst v63  }
0x38: {  	p0 =	sne.s32 s20, $0x7800;
	s22 =	smov.u32 s20;
	s20 =	sadd.s32 $0x800, s20  }
0x39: {  	[tilespmem:s2], [sflag:$0x5] =	stream.linear.gather [hbm4b:s21+s2], $0x80, $0x38;
	[tilespmem:$0x8080] =	vst v63  }
0x3a: {  	_ =	swait.ge [sflag:s12], $0x80  }
0x3b: {  	[sflag:s12] =	ssyncset.done $0x0  }
0x3c: {  	[sflag:s12] =	ssyncadd.s32 $0xFFFFFF80  }
0x3d: {  	_ =	swait.ge [sflag:s17], $0x4000  }
0x3e: {  	[sflag:s17] =	ssyncset.done $0x0  }
0x3f: {  	[sflag:s17] =	ssyncadd.s32 $0xFFFFC000  }
0x40: {  	_ =	swait.ge [sflag:s18], $0x4000  }
0x41: {  	[sflag:s18] =	ssyncset.done $0x0  }
0x42: {  	[sflag:s18] =	ssyncadd.s32 $0xFFFFC000  }
0x43: {  	[tilespmem:s13], [sflag:$0x1] =	stream.indirect.gather [hbm4b:s1+s13], $0x80, s2, s13, $0xb8;
	[tilespmem:$0x8080] =	vst v63  }
0x44: {  	_ = 	snop  }
0x45: {  	[tilespmem:s14], [sflag:$0x2] =	stream.indirect.gather [hbm4b:s4+s13], $0x80, s2, s13, $0xb8;
	[tilespmem:$0x8080] =	vst v63  }
0x46: {  	_ =	swait.ge [sflag:s15], $0x4000  }
0x47: {  	[sflag:s15] =	ssyncset.done $0x0  }
0x48: {  	[sflag:s15] =	ssyncadd.s32 $0xFFFFC000  }
.Ltmp0:
0x49: {  	_ =	swait.ge [sflag:s16], $0x4000;
	(pc) =	sbr.rel @p0 .LBB2_2-.Ltmp0, $4  }
0x4a: {  	[sflag:s16] =	ssyncset.done $0x0  }
0x4b: {  	s23 =	sadd.s32 s22, s9;
	[sflag:s16] =	ssyncadd.s32 $0xFFFFC000  }
0x4c: {  	[hbm4b:s23+s2] =	stream.linear.scatter [tilespmem:s13], [sflag:$0x3], $0x4000, $0x38;
	[tilespmem:$0x8080] =	vst v63  }
0x4d: {  	s22 =	sadd.s32 s22, s10;
	s21 =	sadd.s32 $0x10, s21  }
0x4e: {  	[hbm4b:s22+s2] =	stream.linear.scatter [tilespmem:s14], [sflag:$0x4], $0x4000, $0x38;
	[tilespmem:$0x8080] =	vst v63  }
0x4f: {  	s19 =	sadd.s32 $0x1, s19  }
0x50: {  	_ =	swait.ge [sflag:s17], $0x4000;
	p0 =	sne.s32 s19, s5  }
.Ltmp1:
0x51: {  	[sflag:s17] =	ssyncset.done $0x0;
	(pc) =	sbr.rel @p0 .LBB2_1-.Ltmp1, $4  }
0x52: {  	[sflag:s17] =	ssyncadd.s32 $0xFFFFC000  }
0x53: {  	_ =	swait.ge [sflag:s18], $0x4000  }
0x54: {  	[sflag:s18] =	ssyncset.done $0x0  }
0x55: {  	[sflag:s18] =	ssyncadd.s32 $0xFFFFC000  }
0x56: {  	_ =	sfence.sel $0x180000  }
0x57: {  	[bflag:$0x0] =	sbarrier.arrive $0xFFFF  }
0x58: {  	p0 =	sne.s32 s3, $0x0;
	_ =	strace $0x90000047  }
0x59: {  	s0 =	sadd.s32 @!p0 $0x100000, s0;
	[bflag:$0x2] =	sbarrier.arrive $0xFFFF  }
0x5a: {  	[sflag:s0] =	ssyncadd.tile.s32 @!p0 $0x1;
	_ =	shalt  }
.Lfunc_end2:
_tile_overlayer_lowered:
.L_overlay_start_2:
0x5b: {  	(tag) =	ssettag $0x2  }
0x5c: {  	s0 =	rddreg [dreg:$0x0];
	s2 =	stileid.u32  }
0x5d: {  	s1 =	rddreg [dreg:$0x1];
	p0 =	sne.s32 s2, $0x0  }
0x5e: {  	s3 =	rddreg [dreg:$0x2];
	[bflag:$0x3] =	sbarrier.arrive $0xFFFF;
	s2 =	simm.s32 @!p0 $0x1C05  }
0x5f: {  	[timem:s3], [sflag:s2] =	dma.local @!p0 [hbm:s0], s1  }
0x60: {  	s0 =	simm.s32 @!p0 $0x5  }
0x61: {  	_ =	swait.ge @!p0 [sflag:s0], s1  }
0x62: {  	s1 =	ssub.s32 @!p0 $0x0, s1;
	[sflag:s0] =	ssyncset.done @!p0 $0x0  }
0x63: {  	[sflag:s0] =	ssyncadd.s32 @!p0 s1  }
0x64: {  	[bflag:$0x3] =	sbarrier.arrive $0xFFFF  }
0x65: {  	_ =	shalt  }

// kernel: kernel.17.cloned.1.call-start
scs
__scs_entry_jumppad:
0x0: {  	(pc) =	sbr.rel $0x88, $3  }
0x1: {  	(tag) =	ssettag $0x0;
	lr =	simm.s32 $0x1  }
0x2: {  	[smem:$0x3F97] =	sst lr;
	_ =	strace $0xD0000000  }
0x3: {  	_ = 	snop  }
0x4: {  	_ = 	snop  }
0x5: {  	_ = 	snop  }
0x6: {  	_ = 	snop  }
0x7: {  	_ = 	snop  }
__scs_overlays_trampoline_lowered:
0x8: {  	[smem:$0x3FA6] =	sst s0  }
0x9: {  	[smem:$0x3FA7] =	sst s1  }
0xa: {  	[smem:$0x3FA8] =	sst s2  }
0xb: {  	[smem:$0x3FA9] =	sst s3  }
0xc: {  	[smem:$0x3FAA] =	sst s4  }
0xd: {  	[smem:$0x3FAB] =	sst s5  }
0xe: {  	[smem:$0x3FAC] =	sst s6  }
0xf: {  	[smem:$0x3FAD] =	sst s7  }
0x10: {  	[smem:$0x3FAE] =	sst s8  }
0x11: {  	[smem:$0x3FAF] =	sst s9;
	s0 =	simm.s32 @!p0 $0x0  }
0x12: {  	s1 =	sld [smem:$0x3F95];
	s0 =	simm.s32 @p0 $0x1  }
0x13: {  	[smem:$0x3FB0] =	sst s0;
	s0 =	simm.s32 @!p1 $0x0  }
0x14: {  	s2 =	sld [smem:$0x3F94];
	s0 =	simm.s32 @p1 $0x1  }
0x15: {  	[smem:$0x3FB1] =	sst s0;
	s0 =	simm.s32 @!p2 $0x0  }
0x16: {  	s3 =	sld [smem:$0x3FDB];
	s0 =	simm.s32 @p2 $0x1  }
0x17: {  	s4 =	simm.s32 $0x1BF5;
	[smem:$0x3FB3] =	sst s0  }
0x18: {  	s0 =	sld [smem:$0x3F96];
	_ =	swait.ge [sflag:s4], $0x0  }
0x19: {  	s7 =	sld [smem:$0x3F97]  }
0x1a: {  	s8 =	sadd.s32 $0xFFFFE003, lr  }
0x1b: {  	s9 =	sadd.s32 $0xFFFFFEF7, lr;
	s5 =	simm.s32 $0xFFFFFFFF;
	p2 =	slt.u32 s8, $0xFFFFF086  }
0x1c: {  	p1 =	slt.u32 s9, $0xF7A;
	s5 =	simm.s32 @!p2 $0x0  }
0x1d: {  	s5 =	simm.s32 @p1 $0x1;
	p0 =	seq.s32 s7, s2  }
0x1e: {  	s7 =	smul.u32 @!p0 $0xF7A, s2;
	p2 =	seq.s32 @!p0 s5, $0x0  }
0x1f: {  	s9 =	smul.u32 $0xF7A, s1;
	s8 =	simm.s32 @!p0 $0x1BF5;
	p2 =	por !p2, p0  }
0x20: {  	[sflag:s8] =	ssyncset.s32 @!p0 $0xFFFFF086;
	s6 =	sadd.s32 @!p0 s3, s7;
	s7 =	simm.s32 @!p0 $0x108  }
0x21: {  	s3 =	sadd.s32 s3, s9;
	s6 =	sadd.s32 @!p0 $0x88, s6;
	s7 =	simm.s32 @p2 $0x1082  }
0x22: {  	[simem:s7], [sflag:s8] =	dma.local @!p0 [hbm:s6], $0xF7A  }
0x23: {  	s9 =	sor.u32 $0xD0000000, s2;
	s6 =	simm.s32 $0x108;
	_ =	swait.ge @!p0 [sflag:s8], $0x0  }
0x24: {  	s3 =	sadd.s32 $0x88, s3;
	s6 =	simm.s32 @!p1 $0x1082;
	[sflag:s4] =	ssyncset.s32 $0xFFFFF086  }
0x25: {  	[simem:s6], [sflag:s4] =	dma.local [hbm:s3], $0xF7A  }
0x26: {  	[smem:$0x3F97] =	sst s1;
	(tag) =	ssettag s2;
	_ =	strace s9  }
0x27: {  	s1 =	sld [smem:$0x3FA7]  }
0x28: {  	s2 =	sld [smem:$0x3FA8]  }
0x29: {  	s4 =	sld [smem:$0x3FAA]  }
0x2a: {  	p0 =	seq.s32 s5, $0x0;
	s5 =	sld [smem:$0x3FAB]  }
0x2b: {  	s6 =	sld [smem:$0x3FAC]  }
0x2c: {  	s7 =	sld [smem:$0x3FAD]  }
0x2d: {  	s3 =	simm.s32 $0x108;
	s8 =	sld [smem:$0x3FAE]  }
0x2e: {  	s3 =	simm.s32 @!p0 $0x1082;
	s9 =	sld [smem:$0x3FAF]  }
0x2f: {  	lr =	sadd.s32 s0, s3;
	s0 =	sld [smem:$0x3FA6]  }
0x30: {  	s3 =	sld [smem:$0x3FA9]  }
0x31: {  	[smem:$0x3FB2] =	sst s10  }
0x32: {  	s10 =	sld [smem:$0x3FB0];
	_ =	sdelay $0x3  }
0x33: {  	p0 =	seq.s32 s10, $0x1;
	s10 =	sld [smem:$0x3FB2];
	_ =	sdelay $0x3  }
0x34: {  	[smem:$0x3FB2] =	sst s10  }
0x35: {  	s10 =	sld [smem:$0x3FB1];
	_ =	sdelay $0x3  }
0x36: {  	p1 =	seq.s32 s10, $0x1;
	s10 =	sld [smem:$0x3FB2];
	_ =	sdelay $0x3  }
0x37: {  	[smem:$0x3FB2] =	sst s10  }
0x38: {  	s10 =	sld [smem:$0x3FB3]  }
0x39: {  	_ = 	snop;
	(pc) =	sbr.ind lr, $3  }
0x3a: {  	_ = 	snop  }
0x3b: {  	_ = 	snop  }
0x3c: {  	p2 =	seq.s32 s10, $0x1;
	s10 =	sld [smem:$0x3FB2]  }
0x3d: {  	_ =	shalt  }
0x3e: {  	_ =	shalt  }
0x3f: {  	_ =	shalt  }
0x40: {  	_ =	shalt  }
0x41: {  	_ =	shalt  }
0x42: {  	_ =	shalt  }
0x43: {  	_ =	shalt  }
0x44: {  	_ =	shalt  }
0x45: {  	_ =	shalt  }
0x46: {  	_ =	shalt  }
0x47: {  	_ =	shalt  }
0x48: {  	_ =	shalt  }
0x49: {  	_ =	shalt  }
0x4a: {  	_ =	shalt  }
0x4b: {  	_ =	shalt  }
0x4c: {  	_ =	shalt  }
0x4d: {  	_ =	shalt  }
0x4e: {  	_ =	shalt  }
0x4f: {  	_ =	shalt  }
0x50: {  	_ =	shalt  }
0x51: {  	_ =	shalt  }
0x52: {  	_ =	shalt  }
0x53: {  	_ =	shalt  }
0x54: {  	_ =	shalt  }
0x55: {  	_ =	shalt  }
0x56: {  	_ =	shalt  }
0x57: {  	_ =	shalt  }
0x58: {  	_ =	shalt  }
0x59: {  	_ =	shalt  }
0x5a: {  	_ =	shalt  }
0x5b: {  	_ =	shalt  }
0x5c: {  	_ =	shalt  }
0x5d: {  	_ =	shalt  }
0x5e: {  	_ =	shalt  }
0x5f: {  	_ =	shalt  }
0x60: {  	_ =	shalt  }
0x61: {  	_ =	shalt  }
0x62: {  	_ =	shalt  }
0x63: {  	_ =	shalt  }
0x64: {  	_ =	shalt  }
0x65: {  	_ =	shalt  }
0x66: {  	_ =	shalt  }
0x67: {  	_ =	shalt  }
0x68: {  	_ =	shalt  }
0x69: {  	_ =	shalt  }
0x6a: {  	_ =	shalt  }
0x6b: {  	_ =	shalt  }
0x6c: {  	_ =	shalt  }
0x6d: {  	_ =	shalt  }
0x6e: {  	_ =	shalt  }
0x6f: {  	_ =	shalt  }
0x70: {  	_ =	shalt  }
0x71: {  	_ =	shalt  }
0x72: {  	_ =	shalt  }
0x73: {  	_ =	shalt  }
0x74: {  	_ =	shalt  }
0x75: {  	_ =	shalt  }
0x76: {  	_ =	shalt  }
0x77: {  	_ =	shalt  }
0x78: {  	_ =	shalt  }
0x79: {  	_ =	shalt  }
0x7a: {  	_ =	shalt  }
0x7b: {  	_ =	shalt  }
0x7c: {  	_ =	shalt  }
0x7d: {  	_ =	shalt  }
0x7e: {  	_ =	shalt  }
0x7f: {  	_ =	shalt  }
0x80: {  	_ =	shalt  }
0x81: {  	_ =	shalt  }
0x82: {  	_ =	shalt  }
0x83: {  	_ =	shalt  }
0x84: {  	_ =	shalt  }
0x85: {  	_ =	shalt  }
0x86: {  	_ =	shalt  }
0x87: {  	_ =	shalt  }
.Lfunc_end0:
.L_simem_size_0:
called_computation.1_lowered:
.L_overlay_start_0:
0x88: {  	s2 =	sld [smem:$0x3FD9]  }
0x89: {  	s3 =	sld [smem:$0x3FFE];
	_ =	sdelay $0x1  }
0x8a: {  	s1 =	srdreg.scid  }
0x8b: {  	s0 =	sand.u32 $0x1, s1  }
0x8c: {  	s17 =	sshll.u32 s0, $0xA;
	s2 =	sadd.s32 s3, s2  }
0x8d: {  	s2 =	sadd.s32 s2, s17  }
0x8e: {  	[smem:$0x3FBE] =	sst s2  }
0x8f: {  	_ = 	snop  }
0x90: {  	(tm) =	ssettm $0x1  }
0x91: {  	s18 =	sld [smem:$0x3FFB];
	_ =	sdelay $0x3  }
0x92: {  	_ =	strace s18  }
0x93: {  	s2 =	sld [smem:$0x3FFC];
	_ =	sdelay $0x3  }
0x94: {  	_ =	strace s2  }
0x95: {  	s2 =	sld [smem:$0x3FFD];
	_ =	sdelay $0x3  }
0x96: {  	_ =	strace s2  }
0x97: {  	_ =	strace $0x8FFFFFFF  }
0x98: {  	s19 =	sld [smem:$0x3FDB];
	_ =	sdelay $0x1  }
0x99: {  	s20 =	simm.s32 $_scs_section_size  }
0x9a: {  	s4 =	simm.s32 $_size__tile_overlayer_lowered;
	s5 =	simm.s32 $_tile_overlayer_lowered  }
0x9b: {  	s6 =	simm.s32 $0x1BFF;
	s21 =	sshll.u32 s5, $0x1;
	s3 =	sadd.s32 s20, s19  }
0x9c: {  	s22 =	simm.s32 $0x0;
	s4 =	sshll.u32 s4, $0x1;
	s5 =	sadd.s32 s21, s3  }
0x9d: {  	[timem:s22], [sflag:s6] =	dma.local [hbm:s5], s4  }
0x9e: {  	_ =	swait.ge [sflag:s6], s4  }
0x9f: {  	s4 =	ssub.s32 $0x0, s4;
	[sflag:s6] =	ssyncset.done $0x0  }
0xa0: {  	[sflag:s6] =	ssyncadd.s32 s4;
	_ =	sdelay $0x1  }
0xa1: {  	s23 =	simm.s32 $0x1B8B  }
0xa2: {  	_ =	swait.ge [sflag:s23], $0x1  }
0xa3: {  	[sflag:s23] =	ssyncset.done $0x0  }
0xa4: {  	[sflag:s23] =	ssyncadd.s32 $0xFFFFFFFF  }
0xa5: {  	s4 =	sld [smem:$0x0]  }
0xa6: {  	s5 =	sand.u32 $0xFFFFFFFE, s1  }
0xa7: {  	p0 =	sne.s32 s1, s5  }
0xa8: {  	s5 =	sshll.u32 @p0 s5, $0xE  }
0xa9: {  	s5 =	sadd.s32 @p0 $0x11B8D, s5;
	s6 =	sshll.u32 @p0 s4, $0x11  }
0xaa: {  	s5 =	sor.u32 @p0 s6, s5  }
0xab: {  	[sflag:s5] =	ssyncadd.remote.s32 @p0 $0x1;
	_ =	sdelay $0x1  }
0xac: {  	s5 =	simm.s32 @p0 $0x1B8D  }
0xad: {  	_ =	swait.eq @p0 [sflag:s5], $0x1  }
0xae: {  	[sflag:s5] =	ssyncadd.s32 @p0 $0xFFFFFFFF  }
0xaf: {  	s6 =	sshll.u32 @!p0 s1, $0xE  }
0xb0: {  	s6 =	sor.u32 @!p0 $0x4000, s6;
	s5 =	simm.s32 @!p0 $0x1B8D  }
0xb1: {  	s4 =	sshll.u32 @!p0 s4, $0x11;
	s6 =	sadd.s32 @!p0 $0x11B8D, s6;
	_ =	swait.eq @!p0 [sflag:s5], $0x1  }
0xb2: {  	s4 =	sor.u32 @!p0 s4, s6;
	[sflag:s5] =	ssyncadd.s32 @!p0 $0xFFFFFFFF  }
0xb3: {  	s25 =	simm.s32 $0x1B8E;
	s24 =	sld [smem:$0x3FFE];
	[sflag:s4] =	ssyncadd.remote.s32 @!p0 $0x1  }
0xb4: {  	s26 =	simm.s32 $execute0_lowered;
	[smem:$0x3FD2] =	sst s25  }
0xb5: {  	s5 =	sshll.u32 s26, $0x1;
	_ =	strace $0x80000049;
	[dreg:$0x1] =	wrdreg $0xFFFFFFFF  }
0xb6: {  	s28 =	simm.s32 $_size_execute0_lowered;
	s3 =	sadd.s32 s3, s5;
	[dreg:$0x0] =	wrdreg $0x0  }
0xb7: {  	s5 =	sshll.u32 s28, $0x1;
	[dreg:$0x2] =	wrdreg s3  }
0xb8: {  	[dreg:$0x3] =	wrdreg s5  }
0xb9: {  	[dreg:$0x4] =	wrdreg $0xC0  }
0xba: {  	_ =	task [dreg:s22], $0x5FFFF  }
0xbb: {  	[dreg:$0x1] =	wrdreg $0xFFFFFFFF  }
0xbc: {  	[dreg:$0x0] =	wrdreg $0x60  }
0xbd: {  	[dreg:$0x2] =	wrdreg s24  }
0xbe: {  	[dreg:$0x3] =	wrdreg $0xA  }
0xbf: {  	_ =	task.clear_ibuf [dreg:s22], $0x4FFFF;
	_ =	strace $0x90000049  }
0xc0: {  	s29 =	simm.s32 $0xA;
	_ =	strace $0x8000004B  }
0xc1: {  	_ =	swait.ge [sflag:s29], $0x1  }
0xc2: {  	[sflag:s29] =	ssyncadd.s32 $0xFFFFFFFF  }
0xc3: {  	_ =	strace $0x9000004B  }
0xc4: {  	_ =	sfence  }
0xc5: {  	s30 =	sld [smem:$0x0];
	_ =	sdelay $0x2  }
0xc6: {  	s31 =	sshll.u32 s1, $0xD;
	s1 =	sshrl.u32 s1, $0x2  }
0xc7: {  	s4 =	sand.u32 $0x4000, s31;
	s1 =	sadd.s32 s1, s30  }
0xc8: {  	s0 =	sor.u32 s4, s0;
	s1 =	sshll.u32 s1, $0x11  }
0xc9: {  	s0 =	sor.u32 s1, s0  }
0xca: {  	s0 =	sadd.s32 $0x8F2B, s0  }
0xcb: {  	[sflag:s0] =	ssyncadd.remote.s32 $0x1  }
0xcc: {  	_ =	sfence.sel $0xFFFF  }
0xcd: {  	[dreg:$0x0] =	wrdreg $0xFFFFFFFF;
	(pc) =	sbr.abs _section_cstart, $3  }
0xce: {  	[dreg:$0x1] =	wrdreg $0xFFFFFFFF  }
0xcf: {  	_ =	task.clear_ibuf [dreg:s22], $0x2FFFF;
	_ =	strace $0x9FFFFFFF  }
0xd0: {  	(tm) =	ssettm $0x7FFFFFFF  }
0xd1: {  	_ =	shalt  }
tec
execute0_lowered:
.L_overlay_start_1:
0x0: {  	(tag) =	ssettag $0x1  }
0x1: {  	s5 =	rddreg [dreg:$0x0]  }
0x2: {  	s0 =	rddreg [dreg:$0x1];
	s1 =	simm.s32 $0x0  }
0x3: {  	s2 =	srdreg.scid;
	s16 =	simm.s32 $0x2;
	s17 =	simm.s32 $0x3  }
0x4: {  	s18 =	simm.s32 $0x4;
	s19 =	simm.s32 $0x0;
	[smem:$0x7FF] =	sst s1  }
0x5: {  	s3 =	sadd.s32 $0x17800, s5;
	s4 =	sadd.s32 $0x247800, s5;
	s9 =	sand.u32 $0x1, s2  }
0x6: {  	s11 =	sadd.s32 $0x257800, s5;
	s2 =	stileid.u32;
	s12 =	sadd.s32 $0x259800, s5  }
0x7: {  	s13 =	sadd.s32 $0x359800, s5;
	_ =	strace $0x8000004A;
	s6 =	ssub.s32 $0x2, s9  }
0x8: {  	s8 =	sshll.u32 s2, $0xC;
	s10 =	sshll.u32 s9, $0xB;
	s14 =	sshll.u32 s2, $0x10  }
0x9: {  	s15 =	sshll.u32 s9, $0xF;
	s7 =	sshrl.u32 s6, $0x1;
	s10 =	sor.u32 s10, s8  }
0xa: {  	s6 =	ssub.s32 s6, s7;
	s29 =	sshrl.u32 s10, $0x3;
	s8 =	sshll.u32 s10, $0x4  }
0xb: {  	s30 =	sor.u32 $0x80, s10;
	s5 =	smax.u32 s6, $0x1;
	s6 =	sadd.s32 s11, s29  }
0xc: {  	s7 =	sadd.s32 s12, s8;
	s8 =	sadd.s32 s13, s8;
	s12 =	sadd.s32 s14, s12  }
0xd: {  	s13 =	sadd.s32 s14, s13;
	s31 =	sshrl.u32 s30, $0x3;
	s14 =	simm.s32 $0x4080  }
0xe: {  	s9 =	sadd.s32 s15, s12;
	s10 =	sadd.s32 s15, s13;
	s11 =	sadd.s32 s31, s11  }
0xf: {  	s12 =	simm.s32 $0x5;
	s13 =	simm.s32 $0x80;
	s15 =	simm.s32 $0x1  }
.LBB2_1:
0x10: {  	[tilespmem:s1], [sflag:$0x5] =	stream.linear.gather [hbm4b:s6+s1], $0x80, $0x38;
	[tilespmem:$0x8080] =	vst v63  }
0x11: {  	_ =	swait.ge [sflag:s12], $0x80  }
0x12: {  	[sflag:s12] =	ssyncset.done $0x0  }
0x13: {  	[sflag:s12] =	ssyncadd.s32 $0xFFFFFF80  }
0x14: {  	[tilespmem:s13], [sflag:$0x1] =	stream.indirect.gather [hbm4b:s3+s13], $0x80, s1, s13, $0xb8;
	[tilespmem:$0x8080] =	vst v63  }
0x15: {  	_ = 	snop  }
0x16: {  	[tilespmem:s14], [sflag:$0x2] =	stream.indirect.gather [hbm4b:s4+s13], $0x80, s1, s13, $0xb8;
	[tilespmem:$0x8080] =	vst v63  }
0x17: {  	_ =	swait.ge [sflag:s15], $0x4000  }
0x18: {  	[sflag:s15] =	ssyncset.done $0x0  }
0x19: {  	[sflag:s15] =	ssyncadd.s32 $0xFFFFC000  }
0x1a: {  	_ =	swait.ge [sflag:s16], $0x4000  }
0x1b: {  	[sflag:s16] =	ssyncset.done $0x0  }
0x1c: {  	[sflag:s16] =	ssyncadd.s32 $0xFFFFC000  }
0x1d: {  	[hbm4b:s7+s1] =	stream.linear.scatter [tilespmem:s13], [sflag:$0x3], $0x4000, $0x38;
	[tilespmem:$0x8080] =	vst v63  }
0x1e: {  	_ = 	snop  }
0x1f: {  	[hbm4b:s8+s1] =	stream.linear.scatter [tilespmem:s14], [sflag:$0x4], $0x4000, $0x38;
	[tilespmem:$0x8080] =	vst v63  }
0x20: {  	_ = 	snop  }
0x21: {  	[tilespmem:s1], [sflag:$0x5] =	stream.linear.gather [hbm4b:s11+s1], $0x80, $0x38;
	[tilespmem:$0x8080] =	vst v63  }
0x22: {  	_ =	swait.ge [sflag:s12], $0x80  }
0x23: {  	[sflag:s12] =	ssyncset.done $0x0  }
0x24: {  	[sflag:s12] =	ssyncadd.s32 $0xFFFFFF80  }
0x25: {  	_ =	swait.ge [sflag:s17], $0x4000  }
0x26: {  	[sflag:s17] =	ssyncset.done $0x0  }
0x27: {  	[sflag:s17] =	ssyncadd.s32 $0xFFFFC000  }
0x28: {  	_ =	swait.ge [sflag:s18], $0x4000  }
0x29: {  	[sflag:s18] =	ssyncset.done $0x0  }
0x2a: {  	[sflag:s18] =	ssyncadd.s32 $0xFFFFC000  }
0x2b: {  	[tilespmem:s13], [sflag:$0x1] =	stream.indirect.gather [hbm4b:s3+s13], $0x80, s1, s13, $0xb8;
	[tilespmem:$0x8080] =	vst v63  }
0x2c: {  	_ = 	snop  }
0x2d: {  	[tilespmem:s14], [sflag:$0x2] =	stream.indirect.gather [hbm4b:s4+s13], $0x80, s1, s13, $0xb8;
	[tilespmem:$0x8080] =	vst v63  }
0x2e: {  	_ =	swait.ge [sflag:s15], $0x4000  }
0x2f: {  	[sflag:s15] =	ssyncset.done $0x0  }
0x30: {  	[sflag:s15] =	ssyncadd.s32 $0xFFFFC000  }
0x31: {  	_ =	swait.ge [sflag:s16], $0x4000  }
0x32: {  	[sflag:s16] =	ssyncset.done $0x0  }
0x33: {  	s20 =	sadd.s32 $0x800, s9;
	[sflag:s16] =	ssyncadd.s32 $0xFFFFC000  }
0x34: {  	[hbm4b:s20+s1] =	stream.linear.scatter [tilespmem:s13], [sflag:$0x3], $0x4000, $0x38;
	[tilespmem:$0x8080] =	vst v63  }
0x35: {  	s22 =	sadd.s32 $0x800, s10;
	s21 =	sadd.s32 $0x10, s11;
	s20 =	simm.s32 $0x1000  }
.LBB2_2:
0x36: {  	[hbm4b:s22+s1] =	stream.linear.scatter [tilespmem:s14], [sflag:$0x4], $0x4000, $0x38;
	[tilespmem:$0x8080] =	vst v63  }
0x37: {  	p0 =	sne.s32 s20, $0x7800;
	s22 =	smov.u32 s20;
	s20 =	sadd.s32 $0x800, s20  }
0x38: {  	[tilespmem:s1], [sflag:$0x5] =	stream.linear.gather [hbm4b:s21+s1], $0x80, $0x38;
	[tilespmem:$0x8080] =	vst v63  }
0x39: {  	_ =	swait.ge [sflag:s12], $0x80  }
0x3a: {  	[sflag:s12] =	ssyncset.done $0x0  }
0x3b: {  	[sflag:s12] =	ssyncadd.s32 $0xFFFFFF80  }
0x3c: {  	_ =	swait.ge [sflag:s17], $0x4000  }
0x3d: {  	[sflag:s17] =	ssyncset.done $0x0  }
0x3e: {  	[sflag:s17] =	ssyncadd.s32 $0xFFFFC000  }
0x3f: {  	_ =	swait.ge [sflag:s18], $0x4000  }
0x40: {  	[sflag:s18] =	ssyncset.done $0x0  }
0x41: {  	[sflag:s18] =	ssyncadd.s32 $0xFFFFC000  }
0x42: {  	[tilespmem:s13], [sflag:$0x1] =	stream.indirect.gather [hbm4b:s3+s13], $0x80, s1, s13, $0xb8;
	[tilespmem:$0x8080] =	vst v63  }
0x43: {  	_ = 	snop  }
0x44: {  	[tilespmem:s14], [sflag:$0x2] =	stream.indirect.gather [hbm4b:s4+s13], $0x80, s1, s13, $0xb8;
	[tilespmem:$0x8080] =	vst v63  }
0x45: {  	_ =	swait.ge [sflag:s15], $0x4000  }
0x46: {  	[sflag:s15] =	ssyncset.done $0x0  }
0x47: {  	[sflag:s15] =	ssyncadd.s32 $0xFFFFC000  }
.Ltmp0:
0x48: {  	_ =	swait.ge [sflag:s16], $0x4000;
	(pc) =	sbr.rel @p0 .LBB2_2-.Ltmp0, $4  }
0x49: {  	[sflag:s16] =	ssyncset.done $0x0  }
0x4a: {  	s23 =	sadd.s32 s22, s9;
	[sflag:s16] =	ssyncadd.s32 $0xFFFFC000  }
0x4b: {  	[hbm4b:s23+s1] =	stream.linear.scatter [tilespmem:s13], [sflag:$0x3], $0x4000, $0x38;
	[tilespmem:$0x8080] =	vst v63  }
0x4c: {  	s22 =	sadd.s32 s22, s10;
	s21 =	sadd.s32 $0x10, s21  }
0x4d: {  	[hbm4b:s22+s1] =	stream.linear.scatter [tilespmem:s14], [sflag:$0x4], $0x4000, $0x38;
	[tilespmem:$0x8080] =	vst v63  }
0x4e: {  	s19 =	sadd.s32 $0x1, s19  }
0x4f: {  	_ =	swait.ge [sflag:s17], $0x4000;
	p0 =	sne.s32 s19, s5  }
.Ltmp1:
0x50: {  	[sflag:s17] =	ssyncset.done $0x0;
	(pc) =	sbr.rel @p0 .LBB2_1-.Ltmp1, $4  }
0x51: {  	[sflag:s17] =	ssyncadd.s32 $0xFFFFC000  }
0x52: {  	_ =	swait.ge [sflag:s18], $0x4000  }
0x53: {  	[sflag:s18] =	ssyncset.done $0x0  }
0x54: {  	[sflag:s18] =	ssyncadd.s32 $0xFFFFC000  }
0x55: {  	_ =	sfence.sel $0x180000  }
0x56: {  	[bflag:$0x0] =	sbarrier.arrive $0xFFFF  }
0x57: {  	p0 =	sne.s32 s2, $0x0;
	_ =	strace $0x9000004A  }
0x58: {  	s0 =	sadd.s32 @!p0 $0x100000, s0;
	[bflag:$0x2] =	sbarrier.arrive $0xFFFF  }
0x59: {  	[sflag:s0] =	ssyncadd.tile.s32 @!p0 $0x1;
	_ =	shalt  }
.Lfunc_end2:
_tile_overlayer_lowered:
.L_overlay_start_2:
0x5a: {  	(tag) =	ssettag $0x2  }
0x5b: {  	s0 =	rddreg [dreg:$0x0];
	s2 =	stileid.u32  }
0x5c: {  	s1 =	rddreg [dreg:$0x1];
	p0 =	sne.s32 s2, $0x0  }
0x5d: {  	s3 =	rddreg [dreg:$0x2];
	[bflag:$0x3] =	sbarrier.arrive $0xFFFF;
	s2 =	simm.s32 @!p0 $0x1C05  }
0x5e: {  	[timem:s3], [sflag:s2] =	dma.local @!p0 [hbm:s0], s1  }
0x5f: {  	s0 =	simm.s32 @!p0 $0x5  }
0x60: {  	_ =	swait.ge @!p0 [sflag:s0], s1  }
0x61: {  	s1 =	ssub.s32 @!p0 $0x0, s1;
	[sflag:s0] =	ssyncset.done @!p0 $0x0  }
0x62: {  	[sflag:s0] =	ssyncadd.s32 @!p0 s1  }
0x63: {  	[bflag:$0x3] =	sbarrier.arrive $0xFFFF  }
0x64: {  	_ =	shalt  }

// kernel: kernel.20.cloned.1.call-start
scs
__scs_entry_jumppad:
0x0: {  	(pc) =	sbr.rel $0x88, $3  }
0x1: {  	(tag) =	ssettag $0x0;
	lr =	simm.s32 $0x1  }
0x2: {  	[smem:$0x3F97] =	sst lr;
	_ =	strace $0xD0000000  }
0x3: {  	_ = 	snop  }
0x4: {  	_ = 	snop  }
0x5: {  	_ = 	snop  }
0x6: {  	_ = 	snop  }
0x7: {  	_ = 	snop  }
__scs_overlays_trampoline_lowered:
0x8: {  	[smem:$0x3FA6] =	sst s0  }
0x9: {  	[smem:$0x3FA7] =	sst s1  }
0xa: {  	[smem:$0x3FA8] =	sst s2  }
0xb: {  	[smem:$0x3FA9] =	sst s3  }
0xc: {  	[smem:$0x3FAA] =	sst s4  }
0xd: {  	[smem:$0x3FAB] =	sst s5  }
0xe: {  	[smem:$0x3FAC] =	sst s6  }
0xf: {  	[smem:$0x3FAD] =	sst s7  }
0x10: {  	[smem:$0x3FAE] =	sst s8  }
0x11: {  	[smem:$0x3FAF] =	sst s9;
	s0 =	simm.s32 @!p0 $0x0  }
0x12: {  	s1 =	sld [smem:$0x3F95];
	s0 =	simm.s32 @p0 $0x1  }
0x13: {  	[smem:$0x3FB0] =	sst s0;
	s0 =	simm.s32 @!p1 $0x0  }
0x14: {  	s2 =	sld [smem:$0x3F94];
	s0 =	simm.s32 @p1 $0x1  }
0x15: {  	[smem:$0x3FB1] =	sst s0;
	s0 =	simm.s32 @!p2 $0x0  }
0x16: {  	s3 =	sld [smem:$0x3FDB];
	s0 =	simm.s32 @p2 $0x1  }
0x17: {  	s4 =	simm.s32 $0x1BF5;
	[smem:$0x3FB3] =	sst s0  }
0x18: {  	s0 =	sld [smem:$0x3F96];
	_ =	swait.ge [sflag:s4], $0x0  }
0x19: {  	s7 =	sld [smem:$0x3F97]  }
0x1a: {  	s8 =	sadd.s32 $0xFFFFE003, lr  }
0x1b: {  	s9 =	sadd.s32 $0xFFFFFEF7, lr;
	s5 =	simm.s32 $0xFFFFFFFF;
	p2 =	slt.u32 s8, $0xFFFFF086  }
0x1c: {  	p1 =	slt.u32 s9, $0xF7A;
	s5 =	simm.s32 @!p2 $0x0  }
0x1d: {  	s5 =	simm.s32 @p1 $0x1;
	p0 =	seq.s32 s7, s2  }
0x1e: {  	s7 =	smul.u32 @!p0 $0xF7A, s2;
	p2 =	seq.s32 @!p0 s5, $0x0  }
0x1f: {  	s9 =	smul.u32 $0xF7A, s1;
	s8 =	simm.s32 @!p0 $0x1BF5;
	p2 =	por !p2, p0  }
0x20: {  	[sflag:s8] =	ssyncset.s32 @!p0 $0xFFFFF086;
	s6 =	sadd.s32 @!p0 s3, s7;
	s7 =	simm.s32 @!p0 $0x108  }
0x21: {  	s3 =	sadd.s32 s3, s9;
	s6 =	sadd.s32 @!p0 $0x88, s6;
	s7 =	simm.s32 @p2 $0x1082  }
0x22: {  	[simem:s7], [sflag:s8] =	dma.local @!p0 [hbm:s6], $0xF7A  }
0x23: {  	s9 =	sor.u32 $0xD0000000, s2;
	s6 =	simm.s32 $0x108;
	_ =	swait.ge @!p0 [sflag:s8], $0x0  }
0x24: {  	s3 =	sadd.s32 $0x88, s3;
	s6 =	simm.s32 @!p1 $0x1082;
	[sflag:s4] =	ssyncset.s32 $0xFFFFF086  }
0x25: {  	[simem:s6], [sflag:s4] =	dma.local [hbm:s3], $0xF7A  }
0x26: {  	[smem:$0x3F97] =	sst s1;
	(tag) =	ssettag s2;
	_ =	strace s9  }
0x27: {  	s1 =	sld [smem:$0x3FA7]  }
0x28: {  	s2 =	sld [smem:$0x3FA8]  }
0x29: {  	s4 =	sld [smem:$0x3FAA]  }
0x2a: {  	p0 =	seq.s32 s5, $0x0;
	s5 =	sld [smem:$0x3FAB]  }
0x2b: {  	s6 =	sld [smem:$0x3FAC]  }
0x2c: {  	s7 =	sld [smem:$0x3FAD]  }
0x2d: {  	s3 =	simm.s32 $0x108;
	s8 =	sld [smem:$0x3FAE]  }
0x2e: {  	s3 =	simm.s32 @!p0 $0x1082;
	s9 =	sld [smem:$0x3FAF]  }
0x2f: {  	lr =	sadd.s32 s0, s3;
	s0 =	sld [smem:$0x3FA6]  }
0x30: {  	s3 =	sld [smem:$0x3FA9]  }
0x31: {  	[smem:$0x3FB2] =	sst s10  }
0x32: {  	s10 =	sld [smem:$0x3FB0];
	_ =	sdelay $0x3  }
0x33: {  	p0 =	seq.s32 s10, $0x1;
	s10 =	sld [smem:$0x3FB2];
	_ =	sdelay $0x3  }
0x34: {  	[smem:$0x3FB2] =	sst s10  }
0x35: {  	s10 =	sld [smem:$0x3FB1];
	_ =	sdelay $0x3  }
0x36: {  	p1 =	seq.s32 s10, $0x1;
	s10 =	sld [smem:$0x3FB2];
	_ =	sdelay $0x3  }
0x37: {  	[smem:$0x3FB2] =	sst s10  }
0x38: {  	s10 =	sld [smem:$0x3FB3]  }
0x39: {  	_ = 	snop;
	(pc) =	sbr.ind lr, $3  }
0x3a: {  	_ = 	snop  }
0x3b: {  	_ = 	snop  }
0x3c: {  	p2 =	seq.s32 s10, $0x1;
	s10 =	sld [smem:$0x3FB2]  }
0x3d: {  	_ =	shalt  }
0x3e: {  	_ =	shalt  }
0x3f: {  	_ =	shalt  }
0x40: {  	_ =	shalt  }
0x41: {  	_ =	shalt  }
0x42: {  	_ =	shalt  }
0x43: {  	_ =	shalt  }
0x44: {  	_ =	shalt  }
0x45: {  	_ =	shalt  }
0x46: {  	_ =	shalt  }
0x47: {  	_ =	shalt  }
0x48: {  	_ =	shalt  }
0x49: {  	_ =	shalt  }
0x4a: {  	_ =	shalt  }
0x4b: {  	_ =	shalt  }
0x4c: {  	_ =	shalt  }
0x4d: {  	_ =	shalt  }
0x4e: {  	_ =	shalt  }
0x4f: {  	_ =	shalt  }
0x50: {  	_ =	shalt  }
0x51: {  	_ =	shalt  }
0x52: {  	_ =	shalt  }
0x53: {  	_ =	shalt  }
0x54: {  	_ =	shalt  }
0x55: {  	_ =	shalt  }
0x56: {  	_ =	shalt  }
0x57: {  	_ =	shalt  }
0x58: {  	_ =	shalt  }
0x59: {  	_ =	shalt  }
0x5a: {  	_ =	shalt  }
0x5b: {  	_ =	shalt  }
0x5c: {  	_ =	shalt  }
0x5d: {  	_ =	shalt  }
0x5e: {  	_ =	shalt  }
0x5f: {  	_ =	shalt  }
0x60: {  	_ =	shalt  }
0x61: {  	_ =	shalt  }
0x62: {  	_ =	shalt  }
0x63: {  	_ =	shalt  }
0x64: {  	_ =	shalt  }
0x65: {  	_ =	shalt  }
0x66: {  	_ =	shalt  }
0x67: {  	_ =	shalt  }
0x68: {  	_ =	shalt  }
0x69: {  	_ =	shalt  }
0x6a: {  	_ =	shalt  }
0x6b: {  	_ =	shalt  }
0x6c: {  	_ =	shalt  }
0x6d: {  	_ =	shalt  }
0x6e: {  	_ =	shalt  }
0x6f: {  	_ =	shalt  }
0x70: {  	_ =	shalt  }
0x71: {  	_ =	shalt  }
0x72: {  	_ =	shalt  }
0x73: {  	_ =	shalt  }
0x74: {  	_ =	shalt  }
0x75: {  	_ =	shalt  }
0x76: {  	_ =	shalt  }
0x77: {  	_ =	shalt  }
0x78: {  	_ =	shalt  }
0x79: {  	_ =	shalt  }
0x7a: {  	_ =	shalt  }
0x7b: {  	_ =	shalt  }
0x7c: {  	_ =	shalt  }
0x7d: {  	_ =	shalt  }
0x7e: {  	_ =	shalt  }
0x7f: {  	_ =	shalt  }
0x80: {  	_ =	shalt  }
0x81: {  	_ =	shalt  }
0x82: {  	_ =	shalt  }
0x83: {  	_ =	shalt  }
0x84: {  	_ =	shalt  }
0x85: {  	_ =	shalt  }
0x86: {  	_ =	shalt  }
0x87: {  	_ =	shalt  }
.Lfunc_end0:
.L_simem_size_0:
called_computation.2_lowered:
.L_overlay_start_0:
0x88: {  	s2 =	sld [smem:$0x3FD9]  }
0x89: {  	s3 =	sld [smem:$0x3FFE];
	_ =	sdelay $0x1  }
0x8a: {  	s1 =	srdreg.scid  }
0x8b: {  	s0 =	sand.u32 $0x1, s1  }
0x8c: {  	s17 =	sshll.u32 s0, $0xA;
	s2 =	sadd.s32 s3, s2  }
0x8d: {  	s2 =	sadd.s32 s2, s17  }
0x8e: {  	[smem:$0x3FBE] =	sst s2  }
0x8f: {  	_ = 	snop  }
0x90: {  	(tm) =	ssettm $0x1  }
0x91: {  	s18 =	sld [smem:$0x3FFB];
	_ =	sdelay $0x3  }
0x92: {  	_ =	strace s18  }
0x93: {  	s2 =	sld [smem:$0x3FFC];
	_ =	sdelay $0x3  }
0x94: {  	_ =	strace s2  }
0x95: {  	s2 =	sld [smem:$0x3FFD];
	_ =	sdelay $0x3  }
0x96: {  	_ =	strace s2  }
0x97: {  	_ =	strace $0x8FFFFFFF  }
0x98: {  	s19 =	sld [smem:$0x3FDB];
	_ =	sdelay $0x1  }
0x99: {  	s20 =	simm.s32 $_scs_section_size  }
0x9a: {  	s4 =	simm.s32 $_size__tile_overlayer_lowered;
	s5 =	simm.s32 $_tile_overlayer_lowered  }
0x9b: {  	s6 =	simm.s32 $0x1BFF;
	s21 =	sshll.u32 s5, $0x1;
	s3 =	sadd.s32 s20, s19  }
0x9c: {  	s22 =	simm.s32 $0x0;
	s4 =	sshll.u32 s4, $0x1;
	s5 =	sadd.s32 s21, s3  }
0x9d: {  	[timem:s22], [sflag:s6] =	dma.local [hbm:s5], s4  }
0x9e: {  	_ =	swait.ge [sflag:s6], s4  }
0x9f: {  	s4 =	ssub.s32 $0x0, s4;
	[sflag:s6] =	ssyncset.done $0x0  }
0xa0: {  	[sflag:s6] =	ssyncadd.s32 s4;
	_ =	sdelay $0x1  }
0xa1: {  	s23 =	simm.s32 $0x1B8B  }
0xa2: {  	_ =	swait.ge [sflag:s23], $0x1  }
0xa3: {  	[sflag:s23] =	ssyncset.done $0x0  }
0xa4: {  	[sflag:s23] =	ssyncadd.s32 $0xFFFFFFFF  }
0xa5: {  	s4 =	sld [smem:$0x0]  }
0xa6: {  	s5 =	sand.u32 $0xFFFFFFFE, s1  }
0xa7: {  	p0 =	sne.s32 s1, s5  }
0xa8: {  	s5 =	sshll.u32 @p0 s5, $0xE  }
0xa9: {  	s5 =	sadd.s32 @p0 $0x11B8D, s5;
	s6 =	sshll.u32 @p0 s4, $0x11  }
0xaa: {  	s5 =	sor.u32 @p0 s6, s5  }
0xab: {  	[sflag:s5] =	ssyncadd.remote.s32 @p0 $0x1;
	_ =	sdelay $0x1  }
0xac: {  	s5 =	simm.s32 @p0 $0x1B8D  }
0xad: {  	_ =	swait.eq @p0 [sflag:s5], $0x1  }
0xae: {  	[sflag:s5] =	ssyncadd.s32 @p0 $0xFFFFFFFF  }
0xaf: {  	s6 =	sshll.u32 @!p0 s1, $0xE  }
0xb0: {  	s6 =	sor.u32 @!p0 $0x4000, s6;
	s5 =	simm.s32 @!p0 $0x1B8D  }
0xb1: {  	s4 =	sshll.u32 @!p0 s4, $0x11;
	s6 =	sadd.s32 @!p0 $0x11B8D, s6;
	_ =	swait.eq @!p0 [sflag:s5], $0x1  }
0xb2: {  	s4 =	sor.u32 @!p0 s4, s6;
	[sflag:s5] =	ssyncadd.s32 @!p0 $0xFFFFFFFF  }
0xb3: {  	s25 =	simm.s32 $0x1B8E;
	s24 =	sld [smem:$0x3FFE];
	[sflag:s4] =	ssyncadd.remote.s32 @!p0 $0x1  }
0xb4: {  	s26 =	simm.s32 $execute0_lowered;
	[smem:$0x3FD2] =	sst s25  }
0xb5: {  	s5 =	sshll.u32 s26, $0x1;
	_ =	strace $0x8000004C;
	[dreg:$0x1] =	wrdreg $0xFFFFFFFF  }
0xb6: {  	s28 =	simm.s32 $_size_execute0_lowered;
	s3 =	sadd.s32 s3, s5;
	[dreg:$0x0] =	wrdreg $0x0  }
0xb7: {  	s5 =	sshll.u32 s28, $0x1;
	[dreg:$0x2] =	wrdreg s3  }
0xb8: {  	[dreg:$0x3] =	wrdreg s5  }
0xb9: {  	[dreg:$0x4] =	wrdreg $0xC0  }
0xba: {  	_ =	task [dreg:s22], $0x5FFFF  }
0xbb: {  	[dreg:$0x1] =	wrdreg $0xFFFFFFFF  }
0xbc: {  	[dreg:$0x0] =	wrdreg $0x60  }
0xbd: {  	[dreg:$0x2] =	wrdreg s24  }
0xbe: {  	[dreg:$0x3] =	wrdreg $0xB  }
0xbf: {  	_ =	task.clear_ibuf [dreg:s22], $0x4FFFF;
	_ =	strace $0x9000004C  }
0xc0: {  	s29 =	simm.s32 $0xB;
	_ =	strace $0x8000004E  }
0xc1: {  	_ =	swait.ge [sflag:s29], $0x1  }
0xc2: {  	[sflag:s29] =	ssyncadd.s32 $0xFFFFFFFF  }
0xc3: {  	_ =	strace $0x9000004E  }
0xc4: {  	_ =	sfence  }
0xc5: {  	s30 =	sld [smem:$0x0];
	_ =	sdelay $0x2  }
0xc6: {  	s31 =	sshll.u32 s1, $0xD;
	s1 =	sshrl.u32 s1, $0x2  }
0xc7: {  	s4 =	sand.u32 $0x4000, s31;
	s1 =	sadd.s32 s1, s30  }
0xc8: {  	s0 =	sor.u32 s4, s0;
	s1 =	sshll.u32 s1, $0x11  }
0xc9: {  	s0 =	sor.u32 s1, s0  }
0xca: {  	s0 =	sadd.s32 $0x8F2B, s0  }
0xcb: {  	[sflag:s0] =	ssyncadd.remote.s32 $0x1  }
0xcc: {  	_ =	sfence.sel $0xFFFF  }
0xcd: {  	[dreg:$0x0] =	wrdreg $0xFFFFFFFF;
	(pc) =	sbr.abs _section_cstart, $3  }
0xce: {  	[dreg:$0x1] =	wrdreg $0xFFFFFFFF  }
0xcf: {  	_ =	task.clear_ibuf [dreg:s22], $0x2FFFF;
	_ =	strace $0x9FFFFFFF  }
0xd0: {  	(tm) =	ssettm $0x7FFFFFFF  }
0xd1: {  	_ =	shalt  }
tec
execute0_lowered:
.L_overlay_start_1:
0x0: {  	(tag) =	ssettag $0x1  }
0x1: {  	s5 =	rddreg [dreg:$0x0]  }
0x2: {  	s0 =	rddreg [dreg:$0x1];
	s1 =	simm.s32 $0x0  }
0x3: {  	s2 =	srdreg.scid;
	s16 =	simm.s32 $0x2;
	s17 =	simm.s32 $0x3  }
0x4: {  	s18 =	simm.s32 $0x4;
	s19 =	simm.s32 $0x0;
	[smem:$0x7FF] =	sst s1  }
0x5: {  	s3 =	sadd.s32 $0x27800, s5;
	s4 =	sadd.s32 $0x459800, s5;
	s9 =	sand.u32 $0x1, s2  }
0x6: {  	s11 =	sadd.s32 $0x469800, s5;
	s2 =	stileid.u32;
	s12 =	sadd.s32 $0x46B800, s5  }
0x7: {  	s13 =	sadd.s32 $0x56B800, s5;
	_ =	strace $0x8000004D;
	s6 =	ssub.s32 $0x2, s9  }
0x8: {  	s8 =	sshll.u32 s2, $0xC;
	s10 =	sshll.u32 s9, $0xB;
	s14 =	sshll.u32 s2, $0x10  }
0x9: {  	s15 =	sshll.u32 s9, $0xF;
	s7 =	sshrl.u32 s6, $0x1;
	s10 =	sor.u32 s10, s8  }
0xa: {  	s6 =	ssub.s32 s6, s7;
	s29 =	sshrl.u32 s10, $0x3;
	s8 =	sshll.u32 s10, $0x4  }
0xb: {  	s30 =	sor.u32 $0x80, s10;
	s5 =	smax.u32 s6, $0x1;
	s6 =	sadd.s32 s11, s29  }
0xc: {  	s7 =	sadd.s32 s12, s8;
	s8 =	sadd.s32 s13, s8;
	s12 =	sadd.s32 s14, s12  }
0xd: {  	s13 =	sadd.s32 s14, s13;
	s31 =	sshrl.u32 s30, $0x3;
	s14 =	simm.s32 $0x4080  }
0xe: {  	s9 =	sadd.s32 s15, s12;
	s10 =	sadd.s32 s15, s13;
	s11 =	sadd.s32 s31, s11  }
0xf: {  	s12 =	simm.s32 $0x5;
	s13 =	simm.s32 $0x80;
	s15 =	simm.s32 $0x1  }
.LBB2_1:
0x10: {  	[tilespmem:s1], [sflag:$0x5] =	stream.linear.gather [hbm4b:s6+s1], $0x80, $0x38;
	[tilespmem:$0x8080] =	vst v63  }
0x11: {  	_ =	swait.ge [sflag:s12], $0x80  }
0x12: {  	[sflag:s12] =	ssyncset.done $0x0  }
0x13: {  	[sflag:s12] =	ssyncadd.s32 $0xFFFFFF80  }
0x14: {  	[tilespmem:s13], [sflag:$0x1] =	stream.indirect.gather [hbm4b:s3+s13], $0x80, s1, s13, $0xb8;
	[tilespmem:$0x8080] =	vst v63  }
0x15: {  	_ = 	snop  }
0x16: {  	[tilespmem:s14], [sflag:$0x2] =	stream.indirect.gather [hbm4b:s4+s13], $0x80, s1, s13, $0xb8;
	[tilespmem:$0x8080] =	vst v63  }
0x17: {  	_ =	swait.ge [sflag:s15], $0x4000  }
0x18: {  	[sflag:s15] =	ssyncset.done $0x0  }
0x19: {  	[sflag:s15] =	ssyncadd.s32 $0xFFFFC000  }
0x1a: {  	_ =	swait.ge [sflag:s16], $0x4000  }
0x1b: {  	[sflag:s16] =	ssyncset.done $0x0  }
0x1c: {  	[sflag:s16] =	ssyncadd.s32 $0xFFFFC000  }
0x1d: {  	[hbm4b:s7+s1] =	stream.linear.scatter [tilespmem:s13], [sflag:$0x3], $0x4000, $0x38;
	[tilespmem:$0x8080] =	vst v63  }
0x1e: {  	_ = 	snop  }
0x1f: {  	[hbm4b:s8+s1] =	stream.linear.scatter [tilespmem:s14], [sflag:$0x4], $0x4000, $0x38;
	[tilespmem:$0x8080] =	vst v63  }
0x20: {  	_ = 	snop  }
0x21: {  	[tilespmem:s1], [sflag:$0x5] =	stream.linear.gather [hbm4b:s11+s1], $0x80, $0x38;
	[tilespmem:$0x8080] =	vst v63  }
0x22: {  	_ =	swait.ge [sflag:s12], $0x80  }
0x23: {  	[sflag:s12] =	ssyncset.done $0x0  }
0x24: {  	[sflag:s12] =	ssyncadd.s32 $0xFFFFFF80  }
0x25: {  	_ =	swait.ge [sflag:s17], $0x4000  }
0x26: {  	[sflag:s17] =	ssyncset.done $0x0  }
0x27: {  	[sflag:s17] =	ssyncadd.s32 $0xFFFFC000  }
0x28: {  	_ =	swait.ge [sflag:s18], $0x4000  }
0x29: {  	[sflag:s18] =	ssyncset.done $0x0  }
0x2a: {  	[sflag:s18] =	ssyncadd.s32 $0xFFFFC000  }
0x2b: {  	[tilespmem:s13], [sflag:$0x1] =	stream.indirect.gather [hbm4b:s3+s13], $0x80, s1, s13, $0xb8;
	[tilespmem:$0x8080] =	vst v63  }
0x2c: {  	_ = 	snop  }
0x2d: {  	[tilespmem:s14], [sflag:$0x2] =	stream.indirect.gather [hbm4b:s4+s13], $0x80, s1, s13, $0xb8;
	[tilespmem:$0x8080] =	vst v63  }
0x2e: {  	_ =	swait.ge [sflag:s15], $0x4000  }
0x2f: {  	[sflag:s15] =	ssyncset.done $0x0  }
0x30: {  	[sflag:s15] =	ssyncadd.s32 $0xFFFFC000  }
0x31: {  	_ =	swait.ge [sflag:s16], $0x4000  }
0x32: {  	[sflag:s16] =	ssyncset.done $0x0  }
0x33: {  	s20 =	sadd.s32 $0x800, s9;
	[sflag:s16] =	ssyncadd.s32 $0xFFFFC000  }
0x34: {  	[hbm4b:s20+s1] =	stream.linear.scatter [tilespmem:s13], [sflag:$0x3], $0x4000, $0x38;
	[tilespmem:$0x8080] =	vst v63  }
0x35: {  	s22 =	sadd.s32 $0x800, s10;
	s21 =	sadd.s32 $0x10, s11;
	s20 =	simm.s32 $0x1000  }
.LBB2_2:
0x36: {  	[hbm4b:s22+s1] =	stream.linear.scatter [tilespmem:s14], [sflag:$0x4], $0x4000, $0x38;
	[tilespmem:$0x8080] =	vst v63  }
0x37: {  	p0 =	sne.s32 s20, $0x7800;
	s22 =	smov.u32 s20;
	s20 =	sadd.s32 $0x800, s20  }
0x38: {  	[tilespmem:s1], [sflag:$0x5] =	stream.linear.gather [hbm4b:s21+s1], $0x80, $0x38;
	[tilespmem:$0x8080] =	vst v63  }
0x39: {  	_ =	swait.ge [sflag:s12], $0x80  }
0x3a: {  	[sflag:s12] =	ssyncset.done $0x0  }
0x3b: {  	[sflag:s12] =	ssyncadd.s32 $0xFFFFFF80  }
0x3c: {  	_ =	swait.ge [sflag:s17], $0x4000  }
0x3d: {  	[sflag:s17] =	ssyncset.done $0x0  }
0x3e: {  	[sflag:s17] =	ssyncadd.s32 $0xFFFFC000  }
0x3f: {  	_ =	swait.ge [sflag:s18], $0x4000  }
0x40: {  	[sflag:s18] =	ssyncset.done $0x0  }
0x41: {  	[sflag:s18] =	ssyncadd.s32 $0xFFFFC000  }
0x42: {  	[tilespmem:s13], [sflag:$0x1] =	stream.indirect.gather [hbm4b:s3+s13], $0x80, s1, s13, $0xb8;
	[tilespmem:$0x8080] =	vst v63  }
0x43: {  	_ = 	snop  }
0x44: {  	[tilespmem:s14], [sflag:$0x2] =	stream.indirect.gather [hbm4b:s4+s13], $0x80, s1, s13, $0xb8;
	[tilespmem:$0x8080] =	vst v63  }
0x45: {  	_ =	swait.ge [sflag:s15], $0x4000  }
0x46: {  	[sflag:s15] =	ssyncset.done $0x0  }
0x47: {  	[sflag:s15] =	ssyncadd.s32 $0xFFFFC000  }
.Ltmp0:
0x48: {  	_ =	swait.ge [sflag:s16], $0x4000;
	(pc) =	sbr.rel @p0 .LBB2_2-.Ltmp0, $4  }
0x49: {  	[sflag:s16] =	ssyncset.done $0x0  }
0x4a: {  	s23 =	sadd.s32 s22, s9;
	[sflag:s16] =	ssyncadd.s32 $0xFFFFC000  }
0x4b: {  	[hbm4b:s23+s1] =	stream.linear.scatter [tilespmem:s13], [sflag:$0x3], $0x4000, $0x38;
	[tilespmem:$0x8080] =	vst v63  }
0x4c: {  	s22 =	sadd.s32 s22, s10;
	s21 =	sadd.s32 $0x10, s21  }
0x4d: {  	[hbm4b:s22+s1] =	stream.linear.scatter [tilespmem:s14], [sflag:$0x4], $0x4000, $0x38;
	[tilespmem:$0x8080] =	vst v63  }
0x4e: {  	s19 =	sadd.s32 $0x1, s19  }
0x4f: {  	_ =	swait.ge [sflag:s17], $0x4000;
	p0 =	sne.s32 s19, s5  }
.Ltmp1:
0x50: {  	[sflag:s17] =	ssyncset.done $0x0;
	(pc) =	sbr.rel @p0 .LBB2_1-.Ltmp1, $4  }
0x51: {  	[sflag:s17] =	ssyncadd.s32 $0xFFFFC000  }
0x52: {  	_ =	swait.ge [sflag:s18], $0x4000  }
0x53: {  	[sflag:s18] =	ssyncset.done $0x0  }
0x54: {  	[sflag:s18] =	ssyncadd.s32 $0xFFFFC000  }
0x55: {  	_ =	sfence.sel $0x180000  }
0x56: {  	[bflag:$0x0] =	sbarrier.arrive $0xFFFF  }
0x57: {  	p0 =	sne.s32 s2, $0x0;
	_ =	strace $0x9000004D  }
0x58: {  	s0 =	sadd.s32 @!p0 $0x100000, s0;
	[bflag:$0x2] =	sbarrier.arrive $0xFFFF  }
0x59: {  	[sflag:s0] =	ssyncadd.tile.s32 @!p0 $0x1;
	_ =	shalt  }
.Lfunc_end2:
_tile_overlayer_lowered:
.L_overlay_start_2:
0x5a: {  	(tag) =	ssettag $0x2  }
0x5b: {  	s0 =	rddreg [dreg:$0x0];
	s2 =	stileid.u32  }
0x5c: {  	s1 =	rddreg [dreg:$0x1];
	p0 =	sne.s32 s2, $0x0  }
0x5d: {  	s3 =	rddreg [dreg:$0x2];
	[bflag:$0x3] =	sbarrier.arrive $0xFFFF;
	s2 =	simm.s32 @!p0 $0x1C05  }
0x5e: {  	[timem:s3], [sflag:s2] =	dma.local @!p0 [hbm:s0], s1  }
0x5f: {  	s0 =	simm.s32 @!p0 $0x5  }
0x60: {  	_ =	swait.ge @!p0 [sflag:s0], s1  }
0x61: {  	s1 =	ssub.s32 @!p0 $0x0, s1;
	[sflag:s0] =	ssyncset.done @!p0 $0x0  }
0x62: {  	[sflag:s0] =	ssyncadd.s32 @!p0 s1  }
0x63: {  	[bflag:$0x3] =	sbarrier.arrive $0xFFFF  }
0x64: {  	_ =	shalt  }

// kernel: kernel.23.cloned.1.call-start
scs
__scs_entry_jumppad:
0x0: {  	(pc) =	sbr.rel $0x88, $3  }
0x1: {  	(tag) =	ssettag $0x0;
	lr =	simm.s32 $0x1  }
0x2: {  	[smem:$0x3F97] =	sst lr;
	_ =	strace $0xD0000000  }
0x3: {  	_ = 	snop  }
0x4: {  	_ = 	snop  }
0x5: {  	_ = 	snop  }
0x6: {  	_ = 	snop  }
0x7: {  	_ = 	snop  }
__scs_overlays_trampoline_lowered:
0x8: {  	[smem:$0x3FA6] =	sst s0  }
0x9: {  	[smem:$0x3FA7] =	sst s1  }
0xa: {  	[smem:$0x3FA8] =	sst s2  }
0xb: {  	[smem:$0x3FA9] =	sst s3  }
0xc: {  	[smem:$0x3FAA] =	sst s4  }
0xd: {  	[smem:$0x3FAB] =	sst s5  }
0xe: {  	[smem:$0x3FAC] =	sst s6  }
0xf: {  	[smem:$0x3FAD] =	sst s7  }
0x10: {  	[smem:$0x3FAE] =	sst s8  }
0x11: {  	[smem:$0x3FAF] =	sst s9;
	s0 =	simm.s32 @!p0 $0x0  }
0x12: {  	s1 =	sld [smem:$0x3F95];
	s0 =	simm.s32 @p0 $0x1  }
0x13: {  	[smem:$0x3FB0] =	sst s0;
	s0 =	simm.s32 @!p1 $0x0  }
0x14: {  	s2 =	sld [smem:$0x3F94];
	s0 =	simm.s32 @p1 $0x1  }
0x15: {  	[smem:$0x3FB1] =	sst s0;
	s0 =	simm.s32 @!p2 $0x0  }
0x16: {  	s3 =	sld [smem:$0x3FDB];
	s0 =	simm.s32 @p2 $0x1  }
0x17: {  	s4 =	simm.s32 $0x1BF5;
	[smem:$0x3FB3] =	sst s0  }
0x18: {  	s0 =	sld [smem:$0x3F96];
	_ =	swait.ge [sflag:s4], $0x0  }
0x19: {  	s7 =	sld [smem:$0x3F97]  }
0x1a: {  	s8 =	sadd.s32 $0xFFFFE003, lr  }
0x1b: {  	s9 =	sadd.s32 $0xFFFFFEF7, lr;
	s5 =	simm.s32 $0xFFFFFFFF;
	p2 =	slt.u32 s8, $0xFFFFF086  }
0x1c: {  	p1 =	slt.u32 s9, $0xF7A;
	s5 =	simm.s32 @!p2 $0x0  }
0x1d: {  	s5 =	simm.s32 @p1 $0x1;
	p0 =	seq.s32 s7, s2  }
0x1e: {  	s7 =	smul.u32 @!p0 $0xF7A, s2;
	p2 =	seq.s32 @!p0 s5, $0x0  }
0x1f: {  	s9 =	smul.u32 $0xF7A, s1;
	s8 =	simm.s32 @!p0 $0x1BF5;
	p2 =	por !p2, p0  }
0x20: {  	[sflag:s8] =	ssyncset.s32 @!p0 $0xFFFFF086;
	s6 =	sadd.s32 @!p0 s3, s7;
	s7 =	simm.s32 @!p0 $0x108  }
0x21: {  	s3 =	sadd.s32 s3, s9;
	s6 =	sadd.s32 @!p0 $0x88, s6;
	s7 =	simm.s32 @p2 $0x1082  }
0x22: {  	[simem:s7], [sflag:s8] =	dma.local @!p0 [hbm:s6], $0xF7A  }
0x23: {  	s9 =	sor.u32 $0xD0000000, s2;
	s6 =	simm.s32 $0x108;
	_ =	swait.ge @!p0 [sflag:s8], $0x0  }
0x24: {  	s3 =	sadd.s32 $0x88, s3;
	s6 =	simm.s32 @!p1 $0x1082;
	[sflag:s4] =	ssyncset.s32 $0xFFFFF086  }
0x25: {  	[simem:s6], [sflag:s4] =	dma.local [hbm:s3], $0xF7A  }
0x26: {  	[smem:$0x3F97] =	sst s1;
	(tag) =	ssettag s2;
	_ =	strace s9  }
0x27: {  	s1 =	sld [smem:$0x3FA7]  }
0x28: {  	s2 =	sld [smem:$0x3FA8]  }
0x29: {  	s4 =	sld [smem:$0x3FAA]  }
0x2a: {  	p0 =	seq.s32 s5, $0x0;
	s5 =	sld [smem:$0x3FAB]  }
0x2b: {  	s6 =	sld [smem:$0x3FAC]  }
0x2c: {  	s7 =	sld [smem:$0x3FAD]  }
0x2d: {  	s3 =	simm.s32 $0x108;
	s8 =	sld [smem:$0x3FAE]  }
0x2e: {  	s3 =	simm.s32 @!p0 $0x1082;
	s9 =	sld [smem:$0x3FAF]  }
0x2f: {  	lr =	sadd.s32 s0, s3;
	s0 =	sld [smem:$0x3FA6]  }
0x30: {  	s3 =	sld [smem:$0x3FA9]  }
0x31: {  	[smem:$0x3FB2] =	sst s10  }
0x32: {  	s10 =	sld [smem:$0x3FB0];
	_ =	sdelay $0x3  }
0x33: {  	p0 =	seq.s32 s10, $0x1;
	s10 =	sld [smem:$0x3FB2];
	_ =	sdelay $0x3  }
0x34: {  	[smem:$0x3FB2] =	sst s10  }
0x35: {  	s10 =	sld [smem:$0x3FB1];
	_ =	sdelay $0x3  }
0x36: {  	p1 =	seq.s32 s10, $0x1;
	s10 =	sld [smem:$0x3FB2];
	_ =	sdelay $0x3  }
0x37: {  	[smem:$0x3FB2] =	sst s10  }
0x38: {  	s10 =	sld [smem:$0x3FB3]  }
0x39: {  	_ = 	snop;
	(pc) =	sbr.ind lr, $3  }
0x3a: {  	_ = 	snop  }
0x3b: {  	_ = 	snop  }
0x3c: {  	p2 =	seq.s32 s10, $0x1;
	s10 =	sld [smem:$0x3FB2]  }
0x3d: {  	_ =	shalt  }
0x3e: {  	_ =	shalt  }
0x3f: {  	_ =	shalt  }
0x40: {  	_ =	shalt  }
0x41: {  	_ =	shalt  }
0x42: {  	_ =	shalt  }
0x43: {  	_ =	shalt  }
0x44: {  	_ =	shalt  }
0x45: {  	_ =	shalt  }
0x46: {  	_ =	shalt  }
0x47: {  	_ =	shalt  }
0x48: {  	_ =	shalt  }
0x49: {  	_ =	shalt  }
0x4a: {  	_ =	shalt  }
0x4b: {  	_ =	shalt  }
0x4c: {  	_ =	shalt  }
0x4d: {  	_ =	shalt  }
0x4e: {  	_ =	shalt  }
0x4f: {  	_ =	shalt  }
0x50: {  	_ =	shalt  }
0x51: {  	_ =	shalt  }
0x52: {  	_ =	shalt  }
0x53: {  	_ =	shalt  }
0x54: {  	_ =	shalt  }
0x55: {  	_ =	shalt  }
0x56: {  	_ =	shalt  }
0x57: {  	_ =	shalt  }
0x58: {  	_ =	shalt  }
0x59: {  	_ =	shalt  }
0x5a: {  	_ =	shalt  }
0x5b: {  	_ =	shalt  }
0x5c: {  	_ =	shalt  }
0x5d: {  	_ =	shalt  }
0x5e: {  	_ =	shalt  }
0x5f: {  	_ =	shalt  }
0x60: {  	_ =	shalt  }
0x61: {  	_ =	shalt  }
0x62: {  	_ =	shalt  }
0x63: {  	_ =	shalt  }
0x64: {  	_ =	shalt  }
0x65: {  	_ =	shalt  }
0x66: {  	_ =	shalt  }
0x67: {  	_ =	shalt  }
0x68: {  	_ =	shalt  }
0x69: {  	_ =	shalt  }
0x6a: {  	_ =	shalt  }
0x6b: {  	_ =	shalt  }
0x6c: {  	_ =	shalt  }
0x6d: {  	_ =	shalt  }
0x6e: {  	_ =	shalt  }
0x6f: {  	_ =	shalt  }
0x70: {  	_ =	shalt  }
0x71: {  	_ =	shalt  }
0x72: {  	_ =	shalt  }
0x73: {  	_ =	shalt  }
0x74: {  	_ =	shalt  }
0x75: {  	_ =	shalt  }
0x76: {  	_ =	shalt  }
0x77: {  	_ =	shalt  }
0x78: {  	_ =	shalt  }
0x79: {  	_ =	shalt  }
0x7a: {  	_ =	shalt  }
0x7b: {  	_ =	shalt  }
0x7c: {  	_ =	shalt  }
0x7d: {  	_ =	shalt  }
0x7e: {  	_ =	shalt  }
0x7f: {  	_ =	shalt  }
0x80: {  	_ =	shalt  }
0x81: {  	_ =	shalt  }
0x82: {  	_ =	shalt  }
0x83: {  	_ =	shalt  }
0x84: {  	_ =	shalt  }
0x85: {  	_ =	shalt  }
0x86: {  	_ =	shalt  }
0x87: {  	_ =	shalt  }
.Lfunc_end0:
.L_simem_size_0:
called_computation.3_lowered:
.L_overlay_start_0:
0x88: {  	s2 =	sld [smem:$0x3FD9]  }
0x89: {  	s3 =	sld [smem:$0x3FFE];
	_ =	sdelay $0x1  }
0x8a: {  	s1 =	srdreg.scid  }
0x8b: {  	s0 =	sand.u32 $0x1, s1  }
0x8c: {  	s17 =	sshll.u32 s0, $0xA;
	s2 =	sadd.s32 s3, s2  }
0x8d: {  	s2 =	sadd.s32 s2, s17  }
0x8e: {  	[smem:$0x3FBE] =	sst s2  }
0x8f: {  	_ = 	snop  }
0x90: {  	(tm) =	ssettm $0x1  }
0x91: {  	s18 =	sld [smem:$0x3FFB];
	_ =	sdelay $0x3  }
0x92: {  	_ =	strace s18  }
0x93: {  	s2 =	sld [smem:$0x3FFC];
	_ =	sdelay $0x3  }
0x94: {  	_ =	strace s2  }
0x95: {  	s2 =	sld [smem:$0x3FFD];
	_ =	sdelay $0x3  }
0x96: {  	_ =	strace s2  }
0x97: {  	_ =	strace $0x8FFFFFFF  }
0x98: {  	s19 =	sld [smem:$0x3FDB];
	_ =	sdelay $0x1  }
0x99: {  	s20 =	simm.s32 $_scs_section_size  }
0x9a: {  	s4 =	simm.s32 $_size__tile_overlayer_lowered;
	s5 =	simm.s32 $_tile_overlayer_lowered  }
0x9b: {  	s6 =	simm.s32 $0x1BFF;
	s21 =	sshll.u32 s5, $0x1;
	s3 =	sadd.s32 s20, s19  }
0x9c: {  	s22 =	simm.s32 $0x0;
	s4 =	sshll.u32 s4, $0x1;
	s5 =	sadd.s32 s21, s3  }
0x9d: {  	[timem:s22], [sflag:s6] =	dma.local [hbm:s5], s4  }
0x9e: {  	_ =	swait.ge [sflag:s6], s4  }
0x9f: {  	s4 =	ssub.s32 $0x0, s4;
	[sflag:s6] =	ssyncset.done $0x0  }
0xa0: {  	[sflag:s6] =	ssyncadd.s32 s4;
	_ =	sdelay $0x1  }
0xa1: {  	s23 =	simm.s32 $0x1B8B  }
0xa2: {  	_ =	swait.ge [sflag:s23], $0x1  }
0xa3: {  	[sflag:s23] =	ssyncset.done $0x0  }
0xa4: {  	[sflag:s23] =	ssyncadd.s32 $0xFFFFFFFF  }
0xa5: {  	s4 =	sld [smem:$0x0]  }
0xa6: {  	s5 =	sand.u32 $0xFFFFFFFE, s1  }
0xa7: {  	p0 =	sne.s32 s1, s5  }
0xa8: {  	s5 =	sshll.u32 @p0 s5, $0xE  }
0xa9: {  	s5 =	sadd.s32 @p0 $0x11B8D, s5;
	s6 =	sshll.u32 @p0 s4, $0x11  }
0xaa: {  	s5 =	sor.u32 @p0 s6, s5  }
0xab: {  	[sflag:s5] =	ssyncadd.remote.s32 @p0 $0x1;
	_ =	sdelay $0x1  }
0xac: {  	s5 =	simm.s32 @p0 $0x1B8D  }
0xad: {  	_ =	swait.eq @p0 [sflag:s5], $0x1  }
0xae: {  	[sflag:s5] =	ssyncadd.s32 @p0 $0xFFFFFFFF  }
0xaf: {  	s6 =	sshll.u32 @!p0 s1, $0xE  }
0xb0: {  	s6 =	sor.u32 @!p0 $0x4000, s6;
	s5 =	simm.s32 @!p0 $0x1B8D  }
0xb1: {  	s4 =	sshll.u32 @!p0 s4, $0x11;
	s6 =	sadd.s32 @!p0 $0x11B8D, s6;
	_ =	swait.eq @!p0 [sflag:s5], $0x1  }
0xb2: {  	s4 =	sor.u32 @!p0 s4, s6;
	[sflag:s5] =	ssyncadd.s32 @!p0 $0xFFFFFFFF  }
0xb3: {  	s25 =	simm.s32 $0x1B8E;
	s24 =	sld [smem:$0x3FFE];
	[sflag:s4] =	ssyncadd.remote.s32 @!p0 $0x1  }
0xb4: {  	s26 =	simm.s32 $execute0_lowered;
	[smem:$0x3FD2] =	sst s25  }
0xb5: {  	s5 =	sshll.u32 s26, $0x1;
	_ =	strace $0x8000004F;
	[dreg:$0x1] =	wrdreg $0xFFFFFFFF  }
0xb6: {  	s28 =	simm.s32 $_size_execute0_lowered;
	s3 =	sadd.s32 s3, s5;
	[dreg:$0x0] =	wrdreg $0x0  }
0xb7: {  	s5 =	sshll.u32 s28, $0x1;
	[dreg:$0x2] =	wrdreg s3  }
0xb8: {  	[dreg:$0x3] =	wrdreg s5  }
0xb9: {  	[dreg:$0x4] =	wrdreg $0xC0  }
0xba: {  	_ =	task [dreg:s22], $0x5FFFF  }
0xbb: {  	[dreg:$0x1] =	wrdreg $0xFFFFFFFF  }
0xbc: {  	[dreg:$0x0] =	wrdreg $0x60  }
0xbd: {  	[dreg:$0x2] =	wrdreg s24  }
0xbe: {  	[dreg:$0x3] =	wrdreg $0xC  }
0xbf: {  	_ =	task.clear_ibuf [dreg:s22], $0x4FFFF;
	_ =	strace $0x9000004F  }
0xc0: {  	s29 =	simm.s32 $0xC;
	_ =	strace $0x80000051  }
0xc1: {  	_ =	swait.ge [sflag:s29], $0x1  }
0xc2: {  	[sflag:s29] =	ssyncadd.s32 $0xFFFFFFFF  }
0xc3: {  	_ =	strace $0x90000051  }
0xc4: {  	_ =	sfence  }
0xc5: {  	s30 =	sld [smem:$0x0];
	_ =	sdelay $0x2  }
0xc6: {  	s31 =	sshll.u32 s1, $0xD;
	s1 =	sshrl.u32 s1, $0x2  }
0xc7: {  	s4 =	sand.u32 $0x4000, s31;
	s1 =	sadd.s32 s1, s30  }
0xc8: {  	s0 =	sor.u32 s4, s0;
	s1 =	sshll.u32 s1, $0x11  }
0xc9: {  	s0 =	sor.u32 s1, s0  }
0xca: {  	s0 =	sadd.s32 $0x8F2B, s0  }
0xcb: {  	[sflag:s0] =	ssyncadd.remote.s32 $0x1  }
0xcc: {  	_ =	sfence.sel $0xFFFF  }
0xcd: {  	[dreg:$0x0] =	wrdreg $0xFFFFFFFF;
	(pc) =	sbr.abs _section_cstart, $3  }
0xce: {  	[dreg:$0x1] =	wrdreg $0xFFFFFFFF  }
0xcf: {  	_ =	task.clear_ibuf [dreg:s22], $0x2FFFF;
	_ =	strace $0x9FFFFFFF  }
0xd0: {  	(tm) =	ssettm $0x7FFFFFFF  }
0xd1: {  	_ =	shalt  }
tec
execute0_lowered:
.L_overlay_start_1:
0x0: {  	(tag) =	ssettag $0x1  }
0x1: {  	s5 =	rddreg [dreg:$0x0]  }
0x2: {  	s0 =	rddreg [dreg:$0x1];
	s1 =	simm.s32 $0x0  }
0x3: {  	s2 =	srdreg.scid;
	s16 =	simm.s32 $0x2;
	s17 =	simm.s32 $0x3  }
0x4: {  	s18 =	simm.s32 $0x4;
	s19 =	simm.s32 $0x0;
	[smem:$0x7FF] =	sst s1  }
0x5: {  	s3 =	sadd.s32 $0x37800, s5;
	s4 =	sadd.s32 $0x66B800, s5;
	s9 =	sand.u32 $0x1, s2  }
0x6: {  	s11 =	sadd.s32 $0x67B800, s5;
	s2 =	stileid.u32;
	s12 =	sadd.s32 $0x67D800, s5  }
0x7: {  	s13 =	sadd.s32 $0x77D800, s5;
	_ =	strace $0x80000050;
	s6 =	ssub.s32 $0x2, s9  }
0x8: {  	s8 =	sshll.u32 s2, $0xC;
	s10 =	sshll.u32 s9, $0xB;
	s14 =	sshll.u32 s2, $0x10  }
0x9: {  	s15 =	sshll.u32 s9, $0xF;
	s7 =	sshrl.u32 s6, $0x1;
	s10 =	sor.u32 s10, s8  }
0xa: {  	s6 =	ssub.s32 s6, s7;
	s29 =	sshrl.u32 s10, $0x3;
	s8 =	sshll.u32 s10, $0x4  }
0xb: {  	s30 =	sor.u32 $0x80, s10;
	s5 =	smax.u32 s6, $0x1;
	s6 =	sadd.s32 s11, s29  }
0xc: {  	s7 =	sadd.s32 s12, s8;
	s8 =	sadd.s32 s13, s8;
	s12 =	sadd.s32 s14, s12  }
0xd: {  	s13 =	sadd.s32 s14, s13;
	s31 =	sshrl.u32 s30, $0x3;
	s14 =	simm.s32 $0x4080  }
0xe: {  	s9 =	sadd.s32 s15, s12;
	s10 =	sadd.s32 s15, s13;
	s11 =	sadd.s32 s31, s11  }
0xf: {  	s12 =	simm.s32 $0x5;
	s13 =	simm.s32 $0x80;
	s15 =	simm.s32 $0x1  }
.LBB2_1:
0x10: {  	[tilespmem:s1], [sflag:$0x5] =	stream.linear.gather [hbm4b:s6+s1], $0x80, $0x38;
	[tilespmem:$0x8080] =	vst v63  }
0x11: {  	_ =	swait.ge [sflag:s12], $0x80  }
0x12: {  	[sflag:s12] =	ssyncset.done $0x0  }
0x13: {  	[sflag:s12] =	ssyncadd.s32 $0xFFFFFF80  }
0x14: {  	[tilespmem:s13], [sflag:$0x1] =	stream.indirect.gather [hbm4b:s3+s13], $0x80, s1, s13, $0xb8;
	[tilespmem:$0x8080] =	vst v63  }
0x15: {  	_ = 	snop  }
0x16: {  	[tilespmem:s14], [sflag:$0x2] =	stream.indirect.gather [hbm4b:s4+s13], $0x80, s1, s13, $0xb8;
	[tilespmem:$0x8080] =	vst v63  }
0x17: {  	_ =	swait.ge [sflag:s15], $0x4000  }
0x18: {  	[sflag:s15] =	ssyncset.done $0x0  }
0x19: {  	[sflag:s15] =	ssyncadd.s32 $0xFFFFC000  }
0x1a: {  	_ =	swait.ge [sflag:s16], $0x4000  }
0x1b: {  	[sflag:s16] =	ssyncset.done $0x0  }
0x1c: {  	[sflag:s16] =	ssyncadd.s32 $0xFFFFC000  }
0x1d: {  	[hbm4b:s7+s1] =	stream.linear.scatter [tilespmem:s13], [sflag:$0x3], $0x4000, $0x38;
	[tilespmem:$0x8080] =	vst v63  }
0x1e: {  	_ = 	snop  }
0x1f: {  	[hbm4b:s8+s1] =	stream.linear.scatter [tilespmem:s14], [sflag:$0x4], $0x4000, $0x38;
	[tilespmem:$0x8080] =	vst v63  }
0x20: {  	_ = 	snop  }
0x21: {  	[tilespmem:s1], [sflag:$0x5] =	stream.linear.gather [hbm4b:s11+s1], $0x80, $0x38;
	[tilespmem:$0x8080] =	vst v63  }
0x22: {  	_ =	swait.ge [sflag:s12], $0x80  }
0x23: {  	[sflag:s12] =	ssyncset.done $0x0  }
0x24: {  	[sflag:s12] =	ssyncadd.s32 $0xFFFFFF80  }
0x25: {  	_ =	swait.ge [sflag:s17], $0x4000  }
0x26: {  	[sflag:s17] =	ssyncset.done $0x0  }
0x27: {  	[sflag:s17] =	ssyncadd.s32 $0xFFFFC000  }
0x28: {  	_ =	swait.ge [sflag:s18], $0x4000  }
0x29: {  	[sflag:s18] =	ssyncset.done $0x0  }
0x2a: {  	[sflag:s18] =	ssyncadd.s32 $0xFFFFC000  }
0x2b: {  	[tilespmem:s13], [sflag:$0x1] =	stream.indirect.gather [hbm4b:s3+s13], $0x80, s1, s13, $0xb8;
	[tilespmem:$0x8080] =	vst v63  }
0x2c: {  	_ = 	snop  }
0x2d: {  	[tilespmem:s14], [sflag:$0x2] =	stream.indirect.gather [hbm4b:s4+s13], $0x80, s1, s13, $0xb8;
	[tilespmem:$0x8080] =	vst v63  }
0x2e: {  	_ =	swait.ge [sflag:s15], $0x4000  }
0x2f: {  	[sflag:s15] =	ssyncset.done $0x0  }
0x30: {  	[sflag:s15] =	ssyncadd.s32 $0xFFFFC000  }
0x31: {  	_ =	swait.ge [sflag:s16], $0x4000  }
0x32: {  	[sflag:s16] =	ssyncset.done $0x0  }
0x33: {  	s20 =	sadd.s32 $0x800, s9;
	[sflag:s16] =	ssyncadd.s32 $0xFFFFC000  }
0x34: {  	[hbm4b:s20+s1] =	stream.linear.scatter [tilespmem:s13], [sflag:$0x3], $0x4000, $0x38;
	[tilespmem:$0x8080] =	vst v63  }
0x35: {  	s22 =	sadd.s32 $0x800, s10;
	s21 =	sadd.s32 $0x10, s11;
	s20 =	simm.s32 $0x1000  }
.LBB2_2:
0x36: {  	[hbm4b:s22+s1] =	stream.linear.scatter [tilespmem:s14], [sflag:$0x4], $0x4000, $0x38;
	[tilespmem:$0x8080] =	vst v63  }
0x37: {  	p0 =	sne.s32 s20, $0x7800;
	s22 =	smov.u32 s20;
	s20 =	sadd.s32 $0x800, s20  }
0x38: {  	[tilespmem:s1], [sflag:$0x5] =	stream.linear.gather [hbm4b:s21+s1], $0x80, $0x38;
	[tilespmem:$0x8080] =	vst v63  }
0x39: {  	_ =	swait.ge [sflag:s12], $0x80  }
0x3a: {  	[sflag:s12] =	ssyncset.done $0x0  }
0x3b: {  	[sflag:s12] =	ssyncadd.s32 $0xFFFFFF80  }
0x3c: {  	_ =	swait.ge [sflag:s17], $0x4000  }
0x3d: {  	[sflag:s17] =	ssyncset.done $0x0  }
0x3e: {  	[sflag:s17] =	ssyncadd.s32 $0xFFFFC000  }
0x3f: {  	_ =	swait.ge [sflag:s18], $0x4000  }
0x40: {  	[sflag:s18] =	ssyncset.done $0x0  }
0x41: {  	[sflag:s18] =	ssyncadd.s32 $0xFFFFC000  }
0x42: {  	[tilespmem:s13], [sflag:$0x1] =	stream.indirect.gather [hbm4b:s3+s13], $0x80, s1, s13, $0xb8;
	[tilespmem:$0x8080] =	vst v63  }
0x43: {  	_ = 	snop  }
0x44: {  	[tilespmem:s14], [sflag:$0x2] =	stream.indirect.gather [hbm4b:s4+s13], $0x80, s1, s13, $0xb8;
	[tilespmem:$0x8080] =	vst v63  }
0x45: {  	_ =	swait.ge [sflag:s15], $0x4000  }
0x46: {  	[sflag:s15] =	ssyncset.done $0x0  }
0x47: {  	[sflag:s15] =	ssyncadd.s32 $0xFFFFC000  }
.Ltmp0:
0x48: {  	_ =	swait.ge [sflag:s16], $0x4000;
	(pc) =	sbr.rel @p0 .LBB2_2-.Ltmp0, $4  }
0x49: {  	[sflag:s16] =	ssyncset.done $0x0  }
0x4a: {  	s23 =	sadd.s32 s22, s9;
	[sflag:s16] =	ssyncadd.s32 $0xFFFFC000  }
0x4b: {  	[hbm4b:s23+s1] =	stream.linear.scatter [tilespmem:s13], [sflag:$0x3], $0x4000, $0x38;
	[tilespmem:$0x8080] =	vst v63  }
0x4c: {  	s22 =	sadd.s32 s22, s10;
	s21 =	sadd.s32 $0x10, s21  }
0x4d: {  	[hbm4b:s22+s1] =	stream.linear.scatter [tilespmem:s14], [sflag:$0x4], $0x4000, $0x38;
	[tilespmem:$0x8080] =	vst v63  }
0x4e: {  	s19 =	sadd.s32 $0x1, s19  }
0x4f: {  	_ =	swait.ge [sflag:s17], $0x4000;
	p0 =	sne.s32 s19, s5  }
.Ltmp1:
0x50: {  	[sflag:s17] =	ssyncset.done $0x0;
	(pc) =	sbr.rel @p0 .LBB2_1-.Ltmp1, $4  }
0x51: {  	[sflag:s17] =	ssyncadd.s32 $0xFFFFC000  }
0x52: {  	_ =	swait.ge [sflag:s18], $0x4000  }
0x53: {  	[sflag:s18] =	ssyncset.done $0x0  }
0x54: {  	[sflag:s18] =	ssyncadd.s32 $0xFFFFC000  }
0x55: {  	_ =	sfence.sel $0x180000  }
0x56: {  	[bflag:$0x0] =	sbarrier.arrive $0xFFFF  }
0x57: {  	p0 =	sne.s32 s2, $0x0;
	_ =	strace $0x90000050  }
0x58: {  	s0 =	sadd.s32 @!p0 $0x100000, s0;
	[bflag:$0x2] =	sbarrier.arrive $0xFFFF  }
0x59: {  	[sflag:s0] =	ssyncadd.tile.s32 @!p0 $0x1;
	_ =	shalt  }
.Lfunc_end2:
_tile_overlayer_lowered:
.L_overlay_start_2:
0x5a: {  	(tag) =	ssettag $0x2  }
0x5b: {  	s0 =	rddreg [dreg:$0x0];
	s2 =	stileid.u32  }
0x5c: {  	s1 =	rddreg [dreg:$0x1];
	p0 =	sne.s32 s2, $0x0  }
0x5d: {  	s3 =	rddreg [dreg:$0x2];
	[bflag:$0x3] =	sbarrier.arrive $0xFFFF;
	s2 =	simm.s32 @!p0 $0x1C05  }
0x5e: {  	[timem:s3], [sflag:s2] =	dma.local @!p0 [hbm:s0], s1  }
0x5f: {  	s0 =	simm.s32 @!p0 $0x5  }
0x60: {  	_ =	swait.ge @!p0 [sflag:s0], s1  }
0x61: {  	s1 =	ssub.s32 @!p0 $0x0, s1;
	[sflag:s0] =	ssyncset.done @!p0 $0x0  }
0x62: {  	[sflag:s0] =	ssyncadd.s32 @!p0 s1  }
0x63: {  	[bflag:$0x3] =	sbarrier.arrive $0xFFFF  }
0x64: {  	_ =	shalt  }

</sc_bundles>
